<compile_context>
chip_gen: v7x
topology: tpu7x:2x2x1
jax: 0.10.2.dev20260603
libtpu: 0.0.44.dev20260713+nightly
codegen_flags: <defaults>
</compile_context>

<pallas_src>
import functools

import jax
import jax.numpy as jnp
import numpy as np
from jax import lax
from jax.experimental import pallas as pl
from jax.experimental.pallas import tpu as pltpu
from jax.experimental.pallas import tpu_sc as plsc

_N = 15
_M = 16
_B = 32
_C = 64
_CH = 32
_H = 48
_W = 48
_HP = _CH * _N * _N
_HB = 7440
_OUT = 14625
_OUTP = 14632
_PL = _CH * _H * _W
_BIG = 1 << 20


def _consts():
    p = np.arange(_HP)
    cl = (p // (_N * _N)) * _H * _W
    ij = ((p % (_N * _N)) // _N) * 16 + p % _N
    pk = ((cl << 8) | ij).astype(np.int32)
    f = np.arange(240)
    mij = np.where(f < _N * _N, (f // _N) * 16 + f % _N, 0).astype(np.int32)
    return pk, mij


def _sc_body(table, xs_all, ys_all, pk, mij, out,
             xs_v, ys_v, pk_v, mij_v, hcol_v, mask_v, mout_v, plane, hb, sem):
    wid = lax.axis_index("s") * 2 + lax.axis_index("c")

    pltpu.sync_copy(xs_all.at[pl.ds(wid * _M, _M)], xs_v)
    pltpu.sync_copy(ys_all.at[pl.ds(wid * _M, _M)], ys_v)
    pltpu.sync_copy(pk, pk_v)
    pltpu.sync_copy(mij, mij_v)

    iv = lax.iota(jnp.int32, 16)
    plane[pl.ds(_PL, 16)] = jnp.zeros((16,), jnp.float32)

    def half_body(half, hcarry):
        base0 = (wid * _C + half * _CH) * _H * _W
        pltpu.sync_copy(table.at[pl.ds(base0, _PL)], plane.at[pl.ds(0, _PL)])

        def patch_body(t, carry):
            tb = t & 1

            @pl.when(t >= 2)
            def _drain():
                pltpu.make_async_copy(
                    table.at[pl.ds(0, _HP)], hb.at[tb, pl.ds(0, _HP)],
                    sem).wait()

            tv = jnp.full((16,), t, jnp.int32)
            xsb = plsc.load_gather(xs_v, [tv])
            ysb = plsc.load_gather(ys_v, [tv])
            o = ysb - 7

            colv = jnp.clip(o + iv, 0, _W - 1)
            colok = (o + iv >= 0) & (o + iv < _W) & (iv < _N)
            for i in range(_N):
                hrow = jnp.clip(xsb + (i - 7), 0, _H - 1) * _W
                rowok = (xsb >= 7 - i) & (xsb < _H + 7 - i)
                hcol_v[pl.ds(i * 16, 16)] = jnp.where(
                    colok & rowok, hrow + colv, jnp.int32(_BIG))
                mask_v[pl.ds(i * 16, 16)] = jnp.where(
                    colok & rowok, jnp.float32(1.0), jnp.float32(0.0))

            hbv = hb.at[tb]

            @plsc.parallel_loop(0, _HP // 16, unroll=8)
            def ext_body(p):
                sl = pl.ds(p * 16, 16)
                pkv = pk_v[sl]
                idx = (pkv >> 8) + plsc.load_gather(hcol_v, [pkv & 255])
                idx = jnp.minimum(idx, _PL)
                hbv[sl] = plsc.load_gather(plane, [idx])

            bm = wid * _M + t
            obase = bm * _OUTP + half * _HP
            pltpu.async_copy(hb.at[tb, pl.ds(0, _HP)],
                             out.at[pl.ds(obase, _HP)], sem)

            @pl.when(half == 1)
            def _mask_out():
                @plsc.parallel_loop(0, 15, unroll=5)
                def msk_body(q):
                    mout_v[pl.ds(q * 16, 16)] = plsc.load_gather(
                        mask_v, [mij_v[pl.ds(q * 16, 16)]])
                pltpu.sync_copy(mout_v.at[pl.ds(0, _N * _N)],
                                out.at[pl.ds(bm * _OUTP + 2 * _HP, _N * _N)])
            return carry

        lax.fori_loop(0, _M, patch_body, 0)
        for k in range(2):
            pltpu.make_async_copy(
                table.at[pl.ds(0, _HP)], hb.at[k, pl.ds(0, _HP)], sem).wait()
        return hcarry

    lax.fori_loop(0, 2, half_body, 0)


def kernel(x, x_cord, y_cord, one_player):
    if one_player is not None:
        start = _M * jnp.asarray(one_player, dtype=jnp.int32)
        x_cord = lax.dynamic_slice_in_dim(x_cord, start, _M, axis=1)
        y_cord = lax.dynamic_slice_in_dim(y_cord, start, _M, axis=1)
    xs_all = x_cord.reshape(-1).astype(jnp.int32)
    ys_all = y_cord.reshape(-1).astype(jnp.int32)
    table = x.reshape(_B * _C * _H * _W)

    pk, mij = _consts()

    mesh = plsc.VectorSubcoreMesh(core_axis_name="c", subcore_axis_name="s")
    sc = functools.partial(
        pl.kernel,
        mesh=mesh,
        compiler_params=pltpu.CompilerParams(
            needs_layout_passes=False, use_tc_tiling_on_sc=False,
            skip_device_barrier=True),
        out_type=jax.ShapeDtypeStruct((_B * _M * _OUTP,), jnp.float32),
        scratch_types=[
            pltpu.VMEM((_M,), jnp.int32),
            pltpu.VMEM((_M,), jnp.int32),
            pltpu.VMEM((_HP,), jnp.int32),
            pltpu.VMEM((240,), jnp.int32),
            pltpu.VMEM((240,), jnp.int32),
            pltpu.VMEM((240,), jnp.float32),
            pltpu.VMEM((240,), jnp.float32),
            pltpu.VMEM((_PL + 16,), jnp.float32),
            pltpu.VMEM((2, _HB), jnp.float32),
            pltpu.SemaphoreType.DMA,
        ],
    )(_sc_body)

    out = sc(table, xs_all, ys_all, jnp.asarray(pk), jnp.asarray(mij))

    out = out.reshape(_B * _M, _OUTP)[:, :_OUT]
    return out.reshape(_B * _M, _C + 1, _N, _N)

# --- scband reference (transcript-rebuilt; emitter-appended) ---
"""Pipeline reference for scband-sliser-37993280700483 (READ-ONLY COPY).

The authoritative reference and input builder live on the scoring server;
editing this copy changes nothing except your own understanding.
"""

import jax, jax.numpy as jnp
import numpy as np


def setup_inputs(seed: int = 0):
    key = jax.random.key(seed)
    k1, k2, k3 = jax.random.split(key, 3)
    x = jax.random.normal(k1, (32, 64, 48, 48), dtype=jnp.float32)
    x_cord = jax.random.randint(k2, (32, 32), 0, 48)
    y_cord = jax.random.randint(k3, (32, 32), 0, 48)
    return {"x": x, "x_cord": x_cord, "y_cord": y_cord, "one_player": 0}


def _grid_sample_nearest(inp, grid):
    # inp: [N, C, H, W], grid: [N, Hg, Wg, 2] with grid[...,0]=x, grid[...,1]=y
    # mode='nearest', padding_mode='zeros', align_corners=True
    N, C, H, W = inp.shape
    gx = grid[..., 0]
    gy = grid[..., 1]
    ix = (gx + 1.0) * (W - 1) / 2.0
    iy = (gy + 1.0) * (H - 1) / 2.0
    ix_r = jnp.round(ix).astype(jnp.int32)
    iy_r = jnp.round(iy).astype(jnp.int32)
    valid = (ix_r >= 0) & (ix_r < W) & (iy_r >= 0) & (iy_r < H)
    ix_c = jnp.clip(ix_r, 0, W - 1)
    iy_c = jnp.clip(iy_r, 0, H - 1)
    batch_idx = jnp.arange(N)[:, None, None]
    gathered = inp[batch_idx, :, iy_c, ix_c]  # [N, Hg, Wg, C]
    out = jnp.transpose(gathered, (0, 3, 1, 2))  # [N, C, Hg, Wg]
    out = out * valid[:, None, :, :].astype(inp.dtype)
    return out


def reference(x, x_cord, y_cord, one_player):
    batch_size, num_channels, H, W = x.shape
    n = 15
    M = 16
    if one_player is not None:
        start = 16 * jnp.asarray(one_player, dtype=jnp.int32)
        x_cord = jax.lax.dynamic_slice_in_dim(x_cord, start, 16, axis=1)
        y_cord = jax.lax.dynamic_slice_in_dim(y_cord, start, 16, axis=1)
    fm_expanded = jnp.broadcast_to(x[:, None], (batch_size, M, num_channels, H, W))
    fm_expanded = fm_expanded.reshape(batch_size * M, num_channels, H, W)
    xs_flat = x_cord.reshape(-1).astype(jnp.float32)
    ys_flat = y_cord.reshape(-1).astype(jnp.float32)
    linspace_1d = jnp.linspace(-1.0, 1.0, n)
    grid_y, grid_x = jnp.meshgrid(linspace_1d, linspace_1d, indexing='ij')
    base_grid = jnp.stack([grid_x, grid_y], axis=-1)
    base_grid = jnp.broadcast_to(base_grid[None], (batch_size * M, n, n, 2))
    xs_norm = (xs_flat / (W - 1) * 2.0 - 1.0).reshape(-1, 1, 1)
    ys_norm = (ys_flat / (H - 1) * 2.0 - 1.0).reshape(-1, 1, 1)
    scale_x = (n - 1) / (W - 1)
    scale_y = (n - 1) / (H - 1)
    g0 = base_grid[..., 0] * scale_x + ys_norm
    g1 = base_grid[..., 1] * scale_y + xs_norm
    final_grid = jnp.stack([g0, g1], axis=-1)
    in_bounds = ((g0 >= -1) & (g0 <= 1) & (g1 >= -1) & (g1 <= 1)).astype(jnp.float32)
    patches = _grid_sample_nearest(fm_expanded, final_grid)
    patches_with_mask = jnp.concatenate([patches, in_bounds[:, None, :, :]], axis=1)
    return patches_with_mask

if __name__ == "__main__":
    import jax
    _d = setup_inputs()
    print(jax.jit(kernel)(*tuple(_d.values())))

</pallas_src>

<mosaic_0001>
#map = affine_map<(d0, d1) -> (0)>
module attributes {stable_mosaic.version = 14 : i64} {
  func.func @_sc_body(%arg0: i32, %arg1: i32, %arg2: memref<4718592xf32, #tpu.memory_space<hbm>>, %arg3: memref<512xi32, #tpu.memory_space<hbm>>, %arg4: memref<512xi32, #tpu.memory_space<hbm>>, %arg5: memref<7200xi32, #tpu.memory_space<hbm>>, %arg6: memref<240xi32, #tpu.memory_space<hbm>>, %arg7: memref<7491584xf32, #tpu.memory_space<hbm>>, %arg8: memref<16xi32, #tpu.memory_space<vmem>>, %arg9: memref<16xi32, #tpu.memory_space<vmem>>, %arg10: memref<7200xi32, #tpu.memory_space<vmem>>, %arg11: memref<240xi32, #tpu.memory_space<vmem>>, %arg12: memref<240xi32, #tpu.memory_space<vmem>>, %arg13: memref<240xf32, #tpu.memory_space<vmem>>, %arg14: memref<240xf32, #tpu.memory_space<vmem>>, %arg15: memref<73744xf32, #tpu.memory_space<vmem>>, %arg16: memref<2x7440xf32, #tpu.memory_space<vmem>>, %arg17: memref<!tpu.dma_semaphore, #tpu.memory_space<semaphore_mem>>) attributes {dimension_semantics = [#tpu.dimension_semantics<core_parallel>, #tpu.dimension_semantics<subcore_parallel>], iteration_bounds = array<i64: 2, 16>, scalar_prefetch = 0 : i64, scratch_operands = 10 : i64, tpu.core_type = #tpu.core_type<sc_vector_subcore>, window_params = [{transform_indices = #map}, {transform_indices = #map}, {transform_indices = #map}, {transform_indices = #map}, {transform_indices = #map}, {transform_indices = #map}]} {
    %mul3A = arith.constant 2 : i32
    %mul3A_0 = arith.muli %arg1, %mul3A : i32
    %add3A = arith.addi %mul3A_0, %arg0 : i32
    %mul3A_1 = arith.constant 16 : i32
    %mul3A_2 = arith.muli %add3A, %mul3A_1 : i32
    "tpu.region"() ({
      %run_scoped3A = tpu.sem_alloc : memref<!tpu.dma_semaphore, #tpu.memory_space<semaphore_mem>>
      %dma_start3A = tpu.memref_slice %arg3[%mul3A_2] : memref<512xi32, #tpu.memory_space<hbm>> -> memref<16xi32, #tpu.memory_space<hbm>>
      %dma_start3A_12 = tpu.memref_slice %arg3[%mul3A_2] : memref<512xi32, #tpu.memory_space<hbm>> -> memref<16xi32, #tpu.memory_space<hbm>>
      tpu.enqueue_dma source(%dma_start3A_12 : memref<16xi32, #tpu.memory_space<hbm>>) target(%arg8 : memref<16xi32, #tpu.memory_space<vmem>>) target_semaphore(%run_scoped3A : memref<!tpu.dma_semaphore, #tpu.memory_space<semaphore_mem>>)
      %dma_wait3A = tpu.memref_slice %arg3[%mul3A_2] : memref<512xi32, #tpu.memory_space<hbm>> -> memref<16xi32, #tpu.memory_space<hbm>>
      %dma_wait3A_13 = tpu.memref_slice %arg3[%mul3A_2] : memref<512xi32, #tpu.memory_space<hbm>> -> memref<16xi32, #tpu.memory_space<hbm>>
      tpu.wait_dma2 semaphore(%run_scoped3A : memref<!tpu.dma_semaphore, #tpu.memory_space<semaphore_mem>>) src(%dma_wait3A_13 : memref<16xi32, #tpu.memory_space<hbm>>) dst(%arg8 : memref<16xi32, #tpu.memory_space<vmem>>)
      tpu.yield
    }) : () -> ()
    %mul3A_3 = arith.constant 16 : i32
    %mul3A_4 = arith.muli %add3A, %mul3A_3 : i32
    "tpu.region"() ({
      %run_scoped3A = tpu.sem_alloc : memref<!tpu.dma_semaphore, #tpu.memory_space<semaphore_mem>>
      %dma_start3A = tpu.memref_slice %arg4[%mul3A_4] : memref<512xi32, #tpu.memory_space<hbm>> -> memref<16xi32, #tpu.memory_space<hbm>>
      %dma_start3A_12 = tpu.memref_slice %arg4[%mul3A_4] : memref<512xi32, #tpu.memory_space<hbm>> -> memref<16xi32, #tpu.memory_space<hbm>>
      tpu.enqueue_dma source(%dma_start3A_12 : memref<16xi32, #tpu.memory_space<hbm>>) target(%arg9 : memref<16xi32, #tpu.memory_space<vmem>>) target_semaphore(%run_scoped3A : memref<!tpu.dma_semaphore, #tpu.memory_space<semaphore_mem>>)
      %dma_wait3A = tpu.memref_slice %arg4[%mul3A_4] : memref<512xi32, #tpu.memory_space<hbm>> -> memref<16xi32, #tpu.memory_space<hbm>>
      %dma_wait3A_13 = tpu.memref_slice %arg4[%mul3A_4] : memref<512xi32, #tpu.memory_space<hbm>> -> memref<16xi32, #tpu.memory_space<hbm>>
      tpu.wait_dma2 semaphore(%run_scoped3A : memref<!tpu.dma_semaphore, #tpu.memory_space<semaphore_mem>>) src(%dma_wait3A_13 : memref<16xi32, #tpu.memory_space<hbm>>) dst(%arg9 : memref<16xi32, #tpu.memory_space<vmem>>)
      tpu.yield
    }) : () -> ()
    "tpu.region"() ({
      %run_scoped3A = tpu.sem_alloc : memref<!tpu.dma_semaphore, #tpu.memory_space<semaphore_mem>>
      tpu.enqueue_dma source(%arg5 : memref<7200xi32, #tpu.memory_space<hbm>>) target(%arg10 : memref<7200xi32, #tpu.memory_space<vmem>>) target_semaphore(%run_scoped3A : memref<!tpu.dma_semaphore, #tpu.memory_space<semaphore_mem>>)
      tpu.wait_dma2 semaphore(%run_scoped3A : memref<!tpu.dma_semaphore, #tpu.memory_space<semaphore_mem>>) src(%arg5 : memref<7200xi32, #tpu.memory_space<hbm>>) dst(%arg10 : memref<7200xi32, #tpu.memory_space<vmem>>)
      tpu.yield
    }) : () -> ()
    "tpu.region"() ({
      %run_scoped3A = tpu.sem_alloc : memref<!tpu.dma_semaphore, #tpu.memory_space<semaphore_mem>>
      tpu.enqueue_dma source(%arg6 : memref<240xi32, #tpu.memory_space<hbm>>) target(%arg11 : memref<240xi32, #tpu.memory_space<vmem>>) target_semaphore(%run_scoped3A : memref<!tpu.dma_semaphore, #tpu.memory_space<semaphore_mem>>)
      tpu.wait_dma2 semaphore(%run_scoped3A : memref<!tpu.dma_semaphore, #tpu.memory_space<semaphore_mem>>) src(%arg6 : memref<240xi32, #tpu.memory_space<hbm>>) dst(%arg11 : memref<240xi32, #tpu.memory_space<vmem>>)
      tpu.yield
    }) : () -> ()
    %iota3A = tpu.iota {dimensions = array<i32: 0>} : vector<16xi32>
    %broadcast_in_dim3A = arith.constant 0.000000e+00 : f32
    %broadcast_in_dim3A_5 = vector.broadcast %broadcast_in_dim3A : f32 to vector<16xf32>
    %swap3A = arith.constant 73728 : index
    %swap3A_6 = tpu.vector_load %arg15[%swap3A] {strides = array<i32>} : memref<73744xf32, #tpu.memory_space<vmem>>, vector<16xf32>,
    tpu.vector_store %arg15[%swap3A], %broadcast_in_dim3A_5 {strides = array<i32>} : memref<73744xf32, #tpu.memory_space<vmem>>, vector<16xf32>,
    %scan3A = arith.constant 0 : i32
    %scan3A_7 = arith.constant 0 : i32
    %scan3A_8 = arith.constant 2 : i32
    %scan3A_9 = arith.addi %scan3A_7, %scan3A_8 : i32
    %scan3A_10 = arith.constant 1 : i32
    scf.for %scan3A_12 = %scan3A_7 to %scan3A_9 step %scan3A_10  : i32 {
      %mul3A_13 = arith.constant 64 : i32
      %mul3A_14 = arith.muli %add3A, %mul3A_13 : i32
      %mul3A_15 = arith.constant 32 : i32
      %mul3A_16 = arith.muli %scan3A_12, %mul3A_15 : i32
      %add3A_17 = arith.addi %mul3A_14, %mul3A_16 : i32
      %mul3A_18 = arith.constant 48 : i32
      %mul3A_19 = arith.muli %add3A_17, %mul3A_18 : i32
      %mul3A_20 = arith.constant 48 : i32
      %mul3A_21 = arith.muli %mul3A_19, %mul3A_20 : i32
      "tpu.region"() ({
        %run_scoped3A = tpu.sem_alloc : memref<!tpu.dma_semaphore, #tpu.memory_space<semaphore_mem>>
        %dma_start3A = arith.constant 0 : i32
        %dma_start3A_49 = tpu.memref_slice %arg15[%dma_start3A] : memref<73744xf32, #tpu.memory_space<vmem>> -> memref<73728xf32, #tpu.memory_space<vmem>>
        %dma_start3A_50 = tpu.memref_slice %arg2[%mul3A_21] : memref<4718592xf32, #tpu.memory_space<hbm>> -> memref<73728xf32, #tpu.memory_space<hbm>>
        %dma_start3A_51 = arith.constant 0 : i32
        %dma_start3A_52 = tpu.memref_slice %arg15[%dma_start3A_51] : memref<73744xf32, #tpu.memory_space<vmem>> -> memref<73728xf32, #tpu.memory_space<vmem>>
        %dma_start3A_53 = tpu.memref_slice %arg2[%mul3A_21] : memref<4718592xf32, #tpu.memory_space<hbm>> -> memref<73728xf32, #tpu.memory_space<hbm>>
        tpu.enqueue_dma source(%dma_start3A_53 : memref<73728xf32, #tpu.memory_space<hbm>>) target(%dma_start3A_52 : memref<73728xf32, #tpu.memory_space<vmem>>) target_semaphore(%run_scoped3A : memref<!tpu.dma_semaphore, #tpu.memory_space<semaphore_mem>>)
        %dma_wait3A_54 = arith.constant 0 : i32
        %dma_wait3A_55 = tpu.memref_slice %arg15[%dma_wait3A_54] : memref<73744xf32, #tpu.memory_space<vmem>> -> memref<73728xf32, #tpu.memory_space<vmem>>
        %dma_wait3A_56 = tpu.memref_slice %arg2[%mul3A_21] : memref<4718592xf32, #tpu.memory_space<hbm>> -> memref<73728xf32, #tpu.memory_space<hbm>>
        %dma_wait3A_57 = arith.constant 0 : i32
        %dma_wait3A_58 = tpu.memref_slice %arg15[%dma_wait3A_57] : memref<73744xf32, #tpu.memory_space<vmem>> -> memref<73728xf32, #tpu.memory_space<vmem>>
        %dma_wait3A_59 = tpu.memref_slice %arg2[%mul3A_21] : memref<4718592xf32, #tpu.memory_space<hbm>> -> memref<73728xf32, #tpu.memory_space<hbm>>
        tpu.wait_dma2 semaphore(%run_scoped3A : memref<!tpu.dma_semaphore, #tpu.memory_space<semaphore_mem>>) src(%dma_wait3A_59 : memref<73728xf32, #tpu.memory_space<hbm>>) dst(%dma_wait3A_58 : memref<73728xf32, #tpu.memory_space<vmem>>)
        tpu.yield
      }) : () -> ()
      %scan3A_22 = arith.constant 0 : i32
      %scan3A_23 = arith.constant 0 : i32
      %scan3A_24 = arith.constant 16 : i32
      %scan3A_25 = arith.addi %scan3A_23, %scan3A_24 : i32
      %scan3A_26 = arith.constant 1 : i32
      scf.for %scan3A_49 = %scan3A_23 to %scan3A_25 step %scan3A_26  : i32 {
        %and3A = arith.constant 1 : i32
        %and3A_50 = arith.andi %scan3A_49, %and3A : i32
        %ge3A = arith.constant 2 : i32
        %ge3A_51 = arith.cmpi sge, %scan3A_49, %ge3A : i32
        %convert_element_type3A = arith.extui %ge3A_51 : i1 to i32
        %cond3A = arith.constant 0 : i32
        %cond3A_52 = arith.cmpi ne, %convert_element_type3A, %cond3A : i32
        scf.if %cond3A_52 {
          %dma_wait3A_603 = arith.constant 0 : i32
          %dma_wait3A_604 = tpu.memref_slice %arg16[%and3A_50, %dma_wait3A_603] : memref<2x7440xf32, #tpu.memory_space<vmem>> -> memref<1x7200xf32, #tpu.memory_space<vmem>>
          %dma_wait3A_605 = tpu.memref_squeeze %dma_wait3A_604 : memref<1x7200xf32, #tpu.memory_space<vmem>> -> memref<7200xf32, #tpu.memory_space<vmem>>
          %dma_wait3A_606 = arith.constant 0 : i32
          %dma_wait3A_607 = tpu.memref_slice %arg2[%dma_wait3A_606] : memref<4718592xf32, #tpu.memory_space<hbm>> -> memref<7200xf32, #tpu.memory_space<hbm>>
          %dma_wait3A_608 = arith.constant 0 : i32
          %dma_wait3A_609 = tpu.memref_slice %arg16[%and3A_50, %dma_wait3A_608] : memref<2x7440xf32, #tpu.memory_space<vmem>> -> memref<1x7200xf32, #tpu.memory_space<vmem>>
          %dma_wait3A_610 = tpu.memref_squeeze %dma_wait3A_609 : memref<1x7200xf32, #tpu.memory_space<vmem>> -> memref<7200xf32, #tpu.memory_space<vmem>>
          %dma_wait3A_611 = arith.constant 0 : i32
          %dma_wait3A_612 = tpu.memref_slice %arg2[%dma_wait3A_611] : memref<4718592xf32, #tpu.memory_space<hbm>> -> memref<7200xf32, #tpu.memory_space<hbm>>
          tpu.wait_dma2 semaphore(%arg17 : memref<!tpu.dma_semaphore, #tpu.memory_space<semaphore_mem>>) src(%dma_wait3A_612 : memref<7200xf32, #tpu.memory_space<hbm>>) dst(%dma_wait3A_610 : memref<7200xf32, #tpu.memory_space<vmem>>)
        } else {
        }
        %broadcast_in_dim3A_53 = vector.broadcast %scan3A_49 : i32 to vector<16xi32>
        %gather3A = tpu.vector_load_idx %arg8[%broadcast_in_dim3A_53] : memref<16xi32, #tpu.memory_space<vmem>>[vector<16xi32>], vector<16xi32>,
        %gather3A_54 = tpu.vector_load_idx %arg9[%broadcast_in_dim3A_53] : memref<16xi32, #tpu.memory_space<vmem>>[vector<16xi32>], vector<16xi32>,
        %sub3A = arith.constant 7 : i32
        %sub3A_55 = vector.broadcast %sub3A : i32 to vector<16xi32>
        %sub3A_56 = arith.subi %gather3A_54, %sub3A_55 : vector<16xi32>
        %add3A_57 = arith.addi %sub3A_56, %iota3A : vector<16xi32>
        %jit3A = arith.constant 0 : i32
        %jit3A_58 = arith.constant 47 : i32
        %max3A = vector.broadcast %jit3A : i32 to vector<16xi32>
        %max3A_59 = arith.maxsi %max3A, %add3A_57 : vector<16xi32>
        %min3A = vector.broadcast %jit3A_58 : i32 to vector<16xi32>
        %min3A_60 = arith.minsi %min3A, %max3A_59 : vector<16xi32>
        %add3A_61 = arith.addi %sub3A_56, %iota3A : vector<16xi32>
        %ge3A_62 = arith.constant 0 : i32
        %ge3A_63 = vector.broadcast %ge3A_62 : i32 to vector<16xi32>
        %ge3A_64 = arith.cmpi sge, %add3A_61, %ge3A_63 : vector<16xi32>
        %add3A_65 = arith.addi %sub3A_56, %iota3A : vector<16xi32>
        %lt3A = arith.constant 48 : i32
        %lt3A_66 = vector.broadcast %lt3A : i32 to vector<16xi32>
        %lt3A_67 = arith.cmpi slt, %add3A_65, %lt3A_66 : vector<16xi32>
        %and3A_68 = arith.andi %ge3A_64, %lt3A_67 : vector<16xi1>
        %lt3A_69 = arith.constant 15 : i32
        %lt3A_70 = vector.broadcast %lt3A_69 : i32 to vector<16xi32>
        %lt3A_71 = arith.cmpi slt, %iota3A, %lt3A_70 : vector<16xi32>
        %and3A_72 = arith.andi %and3A_68, %lt3A_71 : vector<16xi1>
        %add3A_73 = arith.constant -7 : i32
        %add3A_74 = vector.broadcast %add3A_73 : i32 to vector<16xi32>
        %add3A_75 = arith.addi %gather3A, %add3A_74 : vector<16xi32>
        %jit3A_76 = arith.constant 0 : i32
        %jit3A_77 = arith.constant 47 : i32
        %max3A_78 = vector.broadcast %jit3A_76 : i32 to vector<16xi32>
        %max3A_79 = arith.maxsi %max3A_78, %add3A_75 : vector<16xi32>
        %min3A_80 = vector.broadcast %jit3A_77 : i32 to vector<16xi32>
        %min3A_81 = arith.minsi %min3A_80, %max3A_79 : vector<16xi32>
        %mul3A_82 = arith.constant 48 : i32
        %mul3A_83 = vector.broadcast %mul3A_82 : i32 to vector<16xi32>
        %mul3A_84 = arith.muli %min3A_81, %mul3A_83 : vector<16xi32>
        %ge3A_85 = arith.constant 7 : i32
        %ge3A_86 = vector.broadcast %ge3A_85 : i32 to vector<16xi32>
        %ge3A_87 = arith.cmpi sge, %gather3A, %ge3A_86 : vector<16xi32>
        %lt3A_88 = arith.constant 55 : i32
        %lt3A_89 = vector.broadcast %lt3A_88 : i32 to vector<16xi32>
        %lt3A_90 = arith.cmpi slt, %gather3A, %lt3A_89 : vector<16xi32>
        %and3A_91 = arith.andi %ge3A_87, %lt3A_90 : vector<16xi1>
        %and3A_92 = arith.andi %and3A_72, %and3A_91 : vector<16xi1>
        %add3A_93 = arith.addi %mul3A_84, %min3A_60 : vector<16xi32>
        %jit3A_94 = arith.constant 1048576 : i32
        %broadcast_in_dim3A_95 = vector.broadcast %jit3A_94 : i32 to vector<16xi32>
        %select_n3A = arith.select %and3A_92, %add3A_93, %broadcast_in_dim3A_95 : vector<16xi1>, vector<16xi32>
        %swap3A_96 = arith.constant 0 : index
        %swap3A_97 = tpu.vector_load %arg12[%swap3A_96] {strides = array<i32>} : memref<240xi32, #tpu.memory_space<vmem>>, vector<16xi32>,
        tpu.vector_store %arg12[%swap3A_96], %select_n3A {strides = array<i32>} : memref<240xi32, #tpu.memory_space<vmem>>, vector<16xi32>,
        %and3A_98 = arith.andi %and3A_72, %and3A_91 : vector<16xi1>
        %jit3A_99 = arith.constant 1.000000e+00 : f32
        %jit3A_100 = arith.constant 0.000000e+00 : f32
        %broadcast_in_dim3A_101 = vector.broadcast %jit3A_99 : f32 to vector<16xf32>
        %broadcast_in_dim3A_102 = vector.broadcast %jit3A_100 : f32 to vector<16xf32>
        %select_n3A_103 = arith.select %and3A_98, %broadcast_in_dim3A_101, %broadcast_in_dim3A_102 : vector<16xi1>, vector<16xf32>
        %swap3A_104 = arith.constant 0 : index
        %swap3A_105 = tpu.vector_load %arg13[%swap3A_104] {strides = array<i32>} : memref<240xf32, #tpu.memory_space<vmem>>, vector<16xf32>,
        tpu.vector_store %arg13[%swap3A_104], %select_n3A_103 {strides = array<i32>} : memref<240xf32, #tpu.memory_space<vmem>>, vector<16xf32>,
        %add3A_106 = arith.constant -6 : i32
        %add3A_107 = vector.broadcast %add3A_106 : i32 to vector<16xi32>
        %add3A_108 = arith.addi %gather3A, %add3A_107 : vector<16xi32>
        %jit3A_109 = arith.constant 0 : i32
        %jit3A_110 = arith.constant 47 : i32
        %max3A_111 = vector.broadcast %jit3A_109 : i32 to vector<16xi32>
        %max3A_112 = arith.maxsi %max3A_111, %add3A_108 : vector<16xi32>
        %min3A_113 = vector.broadcast %jit3A_110 : i32 to vector<16xi32>
        %min3A_114 = arith.minsi %min3A_113, %max3A_112 : vector<16xi32>
        %mul3A_115 = arith.constant 48 : i32
        %mul3A_116 = vector.broadcast %mul3A_115 : i32 to vector<16xi32>
        %mul3A_117 = arith.muli %min3A_114, %mul3A_116 : vector<16xi32>
        %ge3A_118 = arith.constant 6 : i32
        %ge3A_119 = vector.broadcast %ge3A_118 : i32 to vector<16xi32>
        %ge3A_120 = arith.cmpi sge, %gather3A, %ge3A_119 : vector<16xi32>
        %lt3A_121 = arith.constant 54 : i32
        %lt3A_122 = vector.broadcast %lt3A_121 : i32 to vector<16xi32>
        %lt3A_123 = arith.cmpi slt, %gather3A, %lt3A_122 : vector<16xi32>
        %and3A_124 = arith.andi %ge3A_120, %lt3A_123 : vector<16xi1>
        %and3A_125 = arith.andi %and3A_72, %and3A_124 : vector<16xi1>
        %add3A_126 = arith.addi %mul3A_117, %min3A_60 : vector<16xi32>
        %jit3A_127 = arith.constant 1048576 : i32
        %broadcast_in_dim3A_128 = vector.broadcast %jit3A_127 : i32 to vector<16xi32>
        %select_n3A_129 = arith.select %and3A_125, %add3A_126, %broadcast_in_dim3A_128 : vector<16xi1>, vector<16xi32>
        %swap3A_130 = arith.constant 16 : index
        %swap3A_131 = tpu.vector_load %arg12[%swap3A_130] {strides = array<i32>} : memref<240xi32, #tpu.memory_space<vmem>>, vector<16xi32>,
        tpu.vector_store %arg12[%swap3A_130], %select_n3A_129 {strides = array<i32>} : memref<240xi32, #tpu.memory_space<vmem>>, vector<16xi32>,
        %and3A_132 = arith.andi %and3A_72, %and3A_124 : vector<16xi1>
        %jit3A_133 = arith.constant 1.000000e+00 : f32
        %jit3A_134 = arith.constant 0.000000e+00 : f32
        %broadcast_in_dim3A_135 = vector.broadcast %jit3A_133 : f32 to vector<16xf32>
        %broadcast_in_dim3A_136 = vector.broadcast %jit3A_134 : f32 to vector<16xf32>
        %select_n3A_137 = arith.select %and3A_132, %broadcast_in_dim3A_135, %broadcast_in_dim3A_136 : vector<16xi1>, vector<16xf32>
        %swap3A_138 = arith.constant 16 : index
        %swap3A_139 = tpu.vector_load %arg13[%swap3A_138] {strides = array<i32>} : memref<240xf32, #tpu.memory_space<vmem>>, vector<16xf32>,
        tpu.vector_store %arg13[%swap3A_138], %select_n3A_137 {strides = array<i32>} : memref<240xf32, #tpu.memory_space<vmem>>, vector<16xf32>,
        %add3A_140 = arith.constant -5 : i32
        %add3A_141 = vector.broadcast %add3A_140 : i32 to vector<16xi32>
        %add3A_142 = arith.addi %gather3A, %add3A_141 : vector<16xi32>
        %jit3A_143 = arith.constant 0 : i32
        %jit3A_144 = arith.constant 47 : i32
        %max3A_145 = vector.broadcast %jit3A_143 : i32 to vector<16xi32>
        %max3A_146 = arith.maxsi %max3A_145, %add3A_142 : vector<16xi32>
        %min3A_147 = vector.broadcast %jit3A_144 : i32 to vector<16xi32>
        %min3A_148 = arith.minsi %min3A_147, %max3A_146 : vector<16xi32>
        %mul3A_149 = arith.constant 48 : i32
        %mul3A_150 = vector.broadcast %mul3A_149 : i32 to vector<16xi32>
        %mul3A_151 = arith.muli %min3A_148, %mul3A_150 : vector<16xi32>
        %ge3A_152 = arith.constant 5 : i32
        %ge3A_153 = vector.broadcast %ge3A_152 : i32 to vector<16xi32>
        %ge3A_154 = arith.cmpi sge, %gather3A, %ge3A_153 : vector<16xi32>
        %lt3A_155 = arith.constant 53 : i32
        %lt3A_156 = vector.broadcast %lt3A_155 : i32 to vector<16xi32>
        %lt3A_157 = arith.cmpi slt, %gather3A, %lt3A_156 : vector<16xi32>
        %and3A_158 = arith.andi %ge3A_154, %lt3A_157 : vector<16xi1>
        %and3A_159 = arith.andi %and3A_72, %and3A_158 : vector<16xi1>
        %add3A_160 = arith.addi %mul3A_151, %min3A_60 : vector<16xi32>
        %jit3A_161 = arith.constant 1048576 : i32
        %broadcast_in_dim3A_162 = vector.broadcast %jit3A_161 : i32 to vector<16xi32>
        %select_n3A_163 = arith.select %and3A_159, %add3A_160, %broadcast_in_dim3A_162 : vector<16xi1>, vector<16xi32>
        %swap3A_164 = arith.constant 32 : index
        %swap3A_165 = tpu.vector_load %arg12[%swap3A_164] {strides = array<i32>} : memref<240xi32, #tpu.memory_space<vmem>>, vector<16xi32>,
        tpu.vector_store %arg12[%swap3A_164], %select_n3A_163 {strides = array<i32>} : memref<240xi32, #tpu.memory_space<vmem>>, vector<16xi32>,
        %and3A_166 = arith.andi %and3A_72, %and3A_158 : vector<16xi1>
        %jit3A_167 = arith.constant 1.000000e+00 : f32
        %jit3A_168 = arith.constant 0.000000e+00 : f32
        %broadcast_in_dim3A_169 = vector.broadcast %jit3A_167 : f32 to vector<16xf32>
        %broadcast_in_dim3A_170 = vector.broadcast %jit3A_168 : f32 to vector<16xf32>
        %select_n3A_171 = arith.select %and3A_166, %broadcast_in_dim3A_169, %broadcast_in_dim3A_170 : vector<16xi1>, vector<16xf32>
        %swap3A_172 = arith.constant 32 : index
        %swap3A_173 = tpu.vector_load %arg13[%swap3A_172] {strides = array<i32>} : memref<240xf32, #tpu.memory_space<vmem>>, vector<16xf32>,
        tpu.vector_store %arg13[%swap3A_172], %select_n3A_171 {strides = array<i32>} : memref<240xf32, #tpu.memory_space<vmem>>, vector<16xf32>,
        %add3A_174 = arith.constant -4 : i32
        %add3A_175 = vector.broadcast %add3A_174 : i32 to vector<16xi32>
        %add3A_176 = arith.addi %gather3A, %add3A_175 : vector<16xi32>
        %jit3A_177 = arith.constant 0 : i32
        %jit3A_178 = arith.constant 47 : i32
        %max3A_179 = vector.broadcast %jit3A_177 : i32 to vector<16xi32>
        %max3A_180 = arith.maxsi %max3A_179, %add3A_176 : vector<16xi32>
        %min3A_181 = vector.broadcast %jit3A_178 : i32 to vector<16xi32>
        %min3A_182 = arith.minsi %min3A_181, %max3A_180 : vector<16xi32>
        %mul3A_183 = arith.constant 48 : i32
        %mul3A_184 = vector.broadcast %mul3A_183 : i32 to vector<16xi32>
        %mul3A_185 = arith.muli %min3A_182, %mul3A_184 : vector<16xi32>
        %ge3A_186 = arith.constant 4 : i32
        %ge3A_187 = vector.broadcast %ge3A_186 : i32 to vector<16xi32>
        %ge3A_188 = arith.cmpi sge, %gather3A, %ge3A_187 : vector<16xi32>
        %lt3A_189 = arith.constant 52 : i32
        %lt3A_190 = vector.broadcast %lt3A_189 : i32 to vector<16xi32>
        %lt3A_191 = arith.cmpi slt, %gather3A, %lt3A_190 : vector<16xi32>
        %and3A_192 = arith.andi %ge3A_188, %lt3A_191 : vector<16xi1>
        %and3A_193 = arith.andi %and3A_72, %and3A_192 : vector<16xi1>
        %add3A_194 = arith.addi %mul3A_185, %min3A_60 : vector<16xi32>
        %jit3A_195 = arith.constant 1048576 : i32
        %broadcast_in_dim3A_196 = vector.broadcast %jit3A_195 : i32 to vector<16xi32>
        %select_n3A_197 = arith.select %and3A_193, %add3A_194, %broadcast_in_dim3A_196 : vector<16xi1>, vector<16xi32>
        %swap3A_198 = arith.constant 48 : index
        %swap3A_199 = tpu.vector_load %arg12[%swap3A_198] {strides = array<i32>} : memref<240xi32, #tpu.memory_space<vmem>>, vector<16xi32>,
        tpu.vector_store %arg12[%swap3A_198], %select_n3A_197 {strides = array<i32>} : memref<240xi32, #tpu.memory_space<vmem>>, vector<16xi32>,
        %and3A_200 = arith.andi %and3A_72, %and3A_192 : vector<16xi1>
        %jit3A_201 = arith.constant 1.000000e+00 : f32
        %jit3A_202 = arith.constant 0.000000e+00 : f32
        %broadcast_in_dim3A_203 = vector.broadcast %jit3A_201 : f32 to vector<16xf32>
        %broadcast_in_dim3A_204 = vector.broadcast %jit3A_202 : f32 to vector<16xf32>
        %select_n3A_205 = arith.select %and3A_200, %broadcast_in_dim3A_203, %broadcast_in_dim3A_204 : vector<16xi1>, vector<16xf32>
        %swap3A_206 = arith.constant 48 : index
        %swap3A_207 = tpu.vector_load %arg13[%swap3A_206] {strides = array<i32>} : memref<240xf32, #tpu.memory_space<vmem>>, vector<16xf32>,
        tpu.vector_store %arg13[%swap3A_206], %select_n3A_205 {strides = array<i32>} : memref<240xf32, #tpu.memory_space<vmem>>, vector<16xf32>,
        %add3A_208 = arith.constant -3 : i32
        %add3A_209 = vector.broadcast %add3A_208 : i32 to vector<16xi32>
        %add3A_210 = arith.addi %gather3A, %add3A_209 : vector<16xi32>
        %jit3A_211 = arith.constant 0 : i32
        %jit3A_212 = arith.constant 47 : i32
        %max3A_213 = vector.broadcast %jit3A_211 : i32 to vector<16xi32>
        %max3A_214 = arith.maxsi %max3A_213, %add3A_210 : vector<16xi32>
        %min3A_215 = vector.broadcast %jit3A_212 : i32 to vector<16xi32>
        %min3A_216 = arith.minsi %min3A_215, %max3A_214 : vector<16xi32>
        %mul3A_217 = arith.constant 48 : i32
        %mul3A_218 = vector.broadcast %mul3A_217 : i32 to vector<16xi32>
        %mul3A_219 = arith.muli %min3A_216, %mul3A_218 : vector<16xi32>
        %ge3A_220 = arith.constant 3 : i32
        %ge3A_221 = vector.broadcast %ge3A_220 : i32 to vector<16xi32>
        %ge3A_222 = arith.cmpi sge, %gather3A, %ge3A_221 : vector<16xi32>
        %lt3A_223 = arith.constant 51 : i32
        %lt3A_224 = vector.broadcast %lt3A_223 : i32 to vector<16xi32>
        %lt3A_225 = arith.cmpi slt, %gather3A, %lt3A_224 : vector<16xi32>
        %and3A_226 = arith.andi %ge3A_222, %lt3A_225 : vector<16xi1>
        %and3A_227 = arith.andi %and3A_72, %and3A_226 : vector<16xi1>
        %add3A_228 = arith.addi %mul3A_219, %min3A_60 : vector<16xi32>
        %jit3A_229 = arith.constant 1048576 : i32
        %broadcast_in_dim3A_230 = vector.broadcast %jit3A_229 : i32 to vector<16xi32>
        %select_n3A_231 = arith.select %and3A_227, %add3A_228, %broadcast_in_dim3A_230 : vector<16xi1>, vector<16xi32>
        %swap3A_232 = arith.constant 64 : index
        %swap3A_233 = tpu.vector_load %arg12[%swap3A_232] {strides = array<i32>} : memref<240xi32, #tpu.memory_space<vmem>>, vector<16xi32>,
        tpu.vector_store %arg12[%swap3A_232], %select_n3A_231 {strides = array<i32>} : memref<240xi32, #tpu.memory_space<vmem>>, vector<16xi32>,
        %and3A_234 = arith.andi %and3A_72, %and3A_226 : vector<16xi1>
        %jit3A_235 = arith.constant 1.000000e+00 : f32
        %jit3A_236 = arith.constant 0.000000e+00 : f32
        %broadcast_in_dim3A_237 = vector.broadcast %jit3A_235 : f32 to vector<16xf32>
        %broadcast_in_dim3A_238 = vector.broadcast %jit3A_236 : f32 to vector<16xf32>
        %select_n3A_239 = arith.select %and3A_234, %broadcast_in_dim3A_237, %broadcast_in_dim3A_238 : vector<16xi1>, vector<16xf32>
        %swap3A_240 = arith.constant 64 : index
        %swap3A_241 = tpu.vector_load %arg13[%swap3A_240] {strides = array<i32>} : memref<240xf32, #tpu.memory_space<vmem>>, vector<16xf32>,
        tpu.vector_store %arg13[%swap3A_240], %select_n3A_239 {strides = array<i32>} : memref<240xf32, #tpu.memory_space<vmem>>, vector<16xf32>,
        %add3A_242 = arith.constant -2 : i32
        %add3A_243 = vector.broadcast %add3A_242 : i32 to vector<16xi32>
        %add3A_244 = arith.addi %gather3A, %add3A_243 : vector<16xi32>
        %jit3A_245 = arith.constant 0 : i32
        %jit3A_246 = arith.constant 47 : i32
        %max3A_247 = vector.broadcast %jit3A_245 : i32 to vector<16xi32>
        %max3A_248 = arith.maxsi %max3A_247, %add3A_244 : vector<16xi32>
        %min3A_249 = vector.broadcast %jit3A_246 : i32 to vector<16xi32>
        %min3A_250 = arith.minsi %min3A_249, %max3A_248 : vector<16xi32>
        %mul3A_251 = arith.constant 48 : i32
        %mul3A_252 = vector.broadcast %mul3A_251 : i32 to vector<16xi32>
        %mul3A_253 = arith.muli %min3A_250, %mul3A_252 : vector<16xi32>
        %ge3A_254 = arith.constant 2 : i32
        %ge3A_255 = vector.broadcast %ge3A_254 : i32 to vector<16xi32>
        %ge3A_256 = arith.cmpi sge, %gather3A, %ge3A_255 : vector<16xi32>
        %lt3A_257 = arith.constant 50 : i32
        %lt3A_258 = vector.broadcast %lt3A_257 : i32 to vector<16xi32>
        %lt3A_259 = arith.cmpi slt, %gather3A, %lt3A_258 : vector<16xi32>
        %and3A_260 = arith.andi %ge3A_256, %lt3A_259 : vector<16xi1>
        %and3A_261 = arith.andi %and3A_72, %and3A_260 : vector<16xi1>
        %add3A_262 = arith.addi %mul3A_253, %min3A_60 : vector<16xi32>
        %jit3A_263 = arith.constant 1048576 : i32
        %broadcast_in_dim3A_264 = vector.broadcast %jit3A_263 : i32 to vector<16xi32>
        %select_n3A_265 = arith.select %and3A_261, %add3A_262, %broadcast_in_dim3A_264 : vector<16xi1>, vector<16xi32>
        %swap3A_266 = arith.constant 80 : index
        %swap3A_267 = tpu.vector_load %arg12[%swap3A_266] {strides = array<i32>} : memref<240xi32, #tpu.memory_space<vmem>>, vector<16xi32>,
        tpu.vector_store %arg12[%swap3A_266], %select_n3A_265 {strides = array<i32>} : memref<240xi32, #tpu.memory_space<vmem>>, vector<16xi32>,
        %and3A_268 = arith.andi %and3A_72, %and3A_260 : vector<16xi1>
        %jit3A_269 = arith.constant 1.000000e+00 : f32
        %jit3A_270 = arith.constant 0.000000e+00 : f32
        %broadcast_in_dim3A_271 = vector.broadcast %jit3A_269 : f32 to vector<16xf32>
        %broadcast_in_dim3A_272 = vector.broadcast %jit3A_270 : f32 to vector<16xf32>
        %select_n3A_273 = arith.select %and3A_268, %broadcast_in_dim3A_271, %broadcast_in_dim3A_272 : vector<16xi1>, vector<16xf32>
        %swap3A_274 = arith.constant 80 : index
        %swap3A_275 = tpu.vector_load %arg13[%swap3A_274] {strides = array<i32>} : memref<240xf32, #tpu.memory_space<vmem>>, vector<16xf32>,
        tpu.vector_store %arg13[%swap3A_274], %select_n3A_273 {strides = array<i32>} : memref<240xf32, #tpu.memory_space<vmem>>, vector<16xf32>,
        %add3A_276 = arith.constant -1 : i32
        %add3A_277 = vector.broadcast %add3A_276 : i32 to vector<16xi32>
        %add3A_278 = arith.addi %gather3A, %add3A_277 : vector<16xi32>
        %jit3A_279 = arith.constant 0 : i32
        %jit3A_280 = arith.constant 47 : i32
        %max3A_281 = vector.broadcast %jit3A_279 : i32 to vector<16xi32>
        %max3A_282 = arith.maxsi %max3A_281, %add3A_278 : vector<16xi32>
        %min3A_283 = vector.broadcast %jit3A_280 : i32 to vector<16xi32>
        %min3A_284 = arith.minsi %min3A_283, %max3A_282 : vector<16xi32>
        %mul3A_285 = arith.constant 48 : i32
        %mul3A_286 = vector.broadcast %mul3A_285 : i32 to vector<16xi32>
        %mul3A_287 = arith.muli %min3A_284, %mul3A_286 : vector<16xi32>
        %ge3A_288 = arith.constant 1 : i32
        %ge3A_289 = vector.broadcast %ge3A_288 : i32 to vector<16xi32>
        %ge3A_290 = arith.cmpi sge, %gather3A, %ge3A_289 : vector<16xi32>
        %lt3A_291 = arith.constant 49 : i32
        %lt3A_292 = vector.broadcast %lt3A_291 : i32 to vector<16xi32>
        %lt3A_293 = arith.cmpi slt, %gather3A, %lt3A_292 : vector<16xi32>
        %and3A_294 = arith.andi %ge3A_290, %lt3A_293 : vector<16xi1>
        %and3A_295 = arith.andi %and3A_72, %and3A_294 : vector<16xi1>
        %add3A_296 = arith.addi %mul3A_287, %min3A_60 : vector<16xi32>
        %jit3A_297 = arith.constant 1048576 : i32
        %broadcast_in_dim3A_298 = vector.broadcast %jit3A_297 : i32 to vector<16xi32>
        %select_n3A_299 = arith.select %and3A_295, %add3A_296, %broadcast_in_dim3A_298 : vector<16xi1>, vector<16xi32>
        %swap3A_300 = arith.constant 96 : index
        %swap3A_301 = tpu.vector_load %arg12[%swap3A_300] {strides = array<i32>} : memref<240xi32, #tpu.memory_space<vmem>>, vector<16xi32>,
        tpu.vector_store %arg12[%swap3A_300], %select_n3A_299 {strides = array<i32>} : memref<240xi32, #tpu.memory_space<vmem>>, vector<16xi32>,
        %and3A_302 = arith.andi %and3A_72, %and3A_294 : vector<16xi1>
        %jit3A_303 = arith.constant 1.000000e+00 : f32
        %jit3A_304 = arith.constant 0.000000e+00 : f32
        %broadcast_in_dim3A_305 = vector.broadcast %jit3A_303 : f32 to vector<16xf32>
        %broadcast_in_dim3A_306 = vector.broadcast %jit3A_304 : f32 to vector<16xf32>
        %select_n3A_307 = arith.select %and3A_302, %broadcast_in_dim3A_305, %broadcast_in_dim3A_306 : vector<16xi1>, vector<16xf32>
        %swap3A_308 = arith.constant 96 : index
        %swap3A_309 = tpu.vector_load %arg13[%swap3A_308] {strides = array<i32>} : memref<240xf32, #tpu.memory_space<vmem>>, vector<16xf32>,
        tpu.vector_store %arg13[%swap3A_308], %select_n3A_307 {strides = array<i32>} : memref<240xf32, #tpu.memory_space<vmem>>, vector<16xf32>,
        %add3A_310 = arith.constant 0 : i32
        %add3A_311 = vector.broadcast %add3A_310 : i32 to vector<16xi32>
        %add3A_312 = arith.addi %gather3A, %add3A_311 : vector<16xi32>
        %jit3A_313 = arith.constant 0 : i32
        %jit3A_314 = arith.constant 47 : i32
        %max3A_315 = vector.broadcast %jit3A_313 : i32 to vector<16xi32>
        %max3A_316 = arith.maxsi %max3A_315, %add3A_312 : vector<16xi32>
        %min3A_317 = vector.broadcast %jit3A_314 : i32 to vector<16xi32>
        %min3A_318 = arith.minsi %min3A_317, %max3A_316 : vector<16xi32>
        %mul3A_319 = arith.constant 48 : i32
        %mul3A_320 = vector.broadcast %mul3A_319 : i32 to vector<16xi32>
        %mul3A_321 = arith.muli %min3A_318, %mul3A_320 : vector<16xi32>
        %ge3A_322 = arith.constant 0 : i32
        %ge3A_323 = vector.broadcast %ge3A_322 : i32 to vector<16xi32>
        %ge3A_324 = arith.cmpi sge, %gather3A, %ge3A_323 : vector<16xi32>
        %lt3A_325 = arith.constant 48 : i32
        %lt3A_326 = vector.broadcast %lt3A_325 : i32 to vector<16xi32>
        %lt3A_327 = arith.cmpi slt, %gather3A, %lt3A_326 : vector<16xi32>
        %and3A_328 = arith.andi %ge3A_324, %lt3A_327 : vector<16xi1>
        %and3A_329 = arith.andi %and3A_72, %and3A_328 : vector<16xi1>
        %add3A_330 = arith.addi %mul3A_321, %min3A_60 : vector<16xi32>
        %jit3A_331 = arith.constant 1048576 : i32
        %broadcast_in_dim3A_332 = vector.broadcast %jit3A_331 : i32 to vector<16xi32>
        %select_n3A_333 = arith.select %and3A_329, %add3A_330, %broadcast_in_dim3A_332 : vector<16xi1>, vector<16xi32>
        %swap3A_334 = arith.constant 112 : index
        %swap3A_335 = tpu.vector_load %arg12[%swap3A_334] {strides = array<i32>} : memref<240xi32, #tpu.memory_space<vmem>>, vector<16xi32>,
        tpu.vector_store %arg12[%swap3A_334], %select_n3A_333 {strides = array<i32>} : memref<240xi32, #tpu.memory_space<vmem>>, vector<16xi32>,
        %and3A_336 = arith.andi %and3A_72, %and3A_328 : vector<16xi1>
        %jit3A_337 = arith.constant 1.000000e+00 : f32
        %jit3A_338 = arith.constant 0.000000e+00 : f32
        %broadcast_in_dim3A_339 = vector.broadcast %jit3A_337 : f32 to vector<16xf32>
        %broadcast_in_dim3A_340 = vector.broadcast %jit3A_338 : f32 to vector<16xf32>
        %select_n3A_341 = arith.select %and3A_336, %broadcast_in_dim3A_339, %broadcast_in_dim3A_340 : vector<16xi1>, vector<16xf32>
        %swap3A_342 = arith.constant 112 : index
        %swap3A_343 = tpu.vector_load %arg13[%swap3A_342] {strides = array<i32>} : memref<240xf32, #tpu.memory_space<vmem>>, vector<16xf32>,
        tpu.vector_store %arg13[%swap3A_342], %select_n3A_341 {strides = array<i32>} : memref<240xf32, #tpu.memory_space<vmem>>, vector<16xf32>,
        %add3A_344 = arith.constant 1 : i32
        %add3A_345 = vector.broadcast %add3A_344 : i32 to vector<16xi32>
        %add3A_346 = arith.addi %gather3A, %add3A_345 : vector<16xi32>
        %jit3A_347 = arith.constant 0 : i32
        %jit3A_348 = arith.constant 47 : i32
        %max3A_349 = vector.broadcast %jit3A_347 : i32 to vector<16xi32>
        %max3A_350 = arith.maxsi %max3A_349, %add3A_346 : vector<16xi32>
        %min3A_351 = vector.broadcast %jit3A_348 : i32 to vector<16xi32>
        %min3A_352 = arith.minsi %min3A_351, %max3A_350 : vector<16xi32>
        %mul3A_353 = arith.constant 48 : i32
        %mul3A_354 = vector.broadcast %mul3A_353 : i32 to vector<16xi32>
        %mul3A_355 = arith.muli %min3A_352, %mul3A_354 : vector<16xi32>
        %ge3A_356 = arith.constant -1 : i32
        %ge3A_357 = vector.broadcast %ge3A_356 : i32 to vector<16xi32>
        %ge3A_358 = arith.cmpi sge, %gather3A, %ge3A_357 : vector<16xi32>
        %lt3A_359 = arith.constant 47 : i32
        %lt3A_360 = vector.broadcast %lt3A_359 : i32 to vector<16xi32>
        %lt3A_361 = arith.cmpi slt, %gather3A, %lt3A_360 : vector<16xi32>
        %and3A_362 = arith.andi %ge3A_358, %lt3A_361 : vector<16xi1>
        %and3A_363 = arith.andi %and3A_72, %and3A_362 : vector<16xi1>
        %add3A_364 = arith.addi %mul3A_355, %min3A_60 : vector<16xi32>
        %jit3A_365 = arith.constant 1048576 : i32
        %broadcast_in_dim3A_366 = vector.broadcast %jit3A_365 : i32 to vector<16xi32>
        %select_n3A_367 = arith.select %and3A_363, %add3A_364, %broadcast_in_dim3A_366 : vector<16xi1>, vector<16xi32>
        %swap3A_368 = arith.constant 128 : index
        %swap3A_369 = tpu.vector_load %arg12[%swap3A_368] {strides = array<i32>} : memref<240xi32, #tpu.memory_space<vmem>>, vector<16xi32>,
        tpu.vector_store %arg12[%swap3A_368], %select_n3A_367 {strides = array<i32>} : memref<240xi32, #tpu.memory_space<vmem>>, vector<16xi32>,
        %and3A_370 = arith.andi %and3A_72, %and3A_362 : vector<16xi1>
        %jit3A_371 = arith.constant 1.000000e+00 : f32
        %jit3A_372 = arith.constant 0.000000e+00 : f32
        %broadcast_in_dim3A_373 = vector.broadcast %jit3A_371 : f32 to vector<16xf32>
        %broadcast_in_dim3A_374 = vector.broadcast %jit3A_372 : f32 to vector<16xf32>
        %select_n3A_375 = arith.select %and3A_370, %broadcast_in_dim3A_373, %broadcast_in_dim3A_374 : vector<16xi1>, vector<16xf32>
        %swap3A_376 = arith.constant 128 : index
        %swap3A_377 = tpu.vector_load %arg13[%swap3A_376] {strides = array<i32>} : memref<240xf32, #tpu.memory_space<vmem>>, vector<16xf32>,
        tpu.vector_store %arg13[%swap3A_376], %select_n3A_375 {strides = array<i32>} : memref<240xf32, #tpu.memory_space<vmem>>, vector<16xf32>,
        %add3A_378 = arith.constant 2 : i32
        %add3A_379 = vector.broadcast %add3A_378 : i32 to vector<16xi32>
        %add3A_380 = arith.addi %gather3A, %add3A_379 : vector<16xi32>
        %jit3A_381 = arith.constant 0 : i32
        %jit3A_382 = arith.constant 47 : i32
        %max3A_383 = vector.broadcast %jit3A_381 : i32 to vector<16xi32>
        %max3A_384 = arith.maxsi %max3A_383, %add3A_380 : vector<16xi32>
        %min3A_385 = vector.broadcast %jit3A_382 : i32 to vector<16xi32>
        %min3A_386 = arith.minsi %min3A_385, %max3A_384 : vector<16xi32>
        %mul3A_387 = arith.constant 48 : i32
        %mul3A_388 = vector.broadcast %mul3A_387 : i32 to vector<16xi32>
        %mul3A_389 = arith.muli %min3A_386, %mul3A_388 : vector<16xi32>
        %ge3A_390 = arith.constant -2 : i32
        %ge3A_391 = vector.broadcast %ge3A_390 : i32 to vector<16xi32>
        %ge3A_392 = arith.cmpi sge, %gather3A, %ge3A_391 : vector<16xi32>
        %lt3A_393 = arith.constant 46 : i32
        %lt3A_394 = vector.broadcast %lt3A_393 : i32 to vector<16xi32>
        %lt3A_395 = arith.cmpi slt, %gather3A, %lt3A_394 : vector<16xi32>
        %and3A_396 = arith.andi %ge3A_392, %lt3A_395 : vector<16xi1>
        %and3A_397 = arith.andi %and3A_72, %and3A_396 : vector<16xi1>
        %add3A_398 = arith.addi %mul3A_389, %min3A_60 : vector<16xi32>
        %jit3A_399 = arith.constant 1048576 : i32
        %broadcast_in_dim3A_400 = vector.broadcast %jit3A_399 : i32 to vector<16xi32>
        %select_n3A_401 = arith.select %and3A_397, %add3A_398, %broadcast_in_dim3A_400 : vector<16xi1>, vector<16xi32>
        %swap3A_402 = arith.constant 144 : index
        %swap3A_403 = tpu.vector_load %arg12[%swap3A_402] {strides = array<i32>} : memref<240xi32, #tpu.memory_space<vmem>>, vector<16xi32>,
        tpu.vector_store %arg12[%swap3A_402], %select_n3A_401 {strides = array<i32>} : memref<240xi32, #tpu.memory_space<vmem>>, vector<16xi32>,
        %and3A_404 = arith.andi %and3A_72, %and3A_396 : vector<16xi1>
        %jit3A_405 = arith.constant 1.000000e+00 : f32
        %jit3A_406 = arith.constant 0.000000e+00 : f32
        %broadcast_in_dim3A_407 = vector.broadcast %jit3A_405 : f32 to vector<16xf32>
        %broadcast_in_dim3A_408 = vector.broadcast %jit3A_406 : f32 to vector<16xf32>
        %select_n3A_409 = arith.select %and3A_404, %broadcast_in_dim3A_407, %broadcast_in_dim3A_408 : vector<16xi1>, vector<16xf32>
        %swap3A_410 = arith.constant 144 : index
        %swap3A_411 = tpu.vector_load %arg13[%swap3A_410] {strides = array<i32>} : memref<240xf32, #tpu.memory_space<vmem>>, vector<16xf32>,
        tpu.vector_store %arg13[%swap3A_410], %select_n3A_409 {strides = array<i32>} : memref<240xf32, #tpu.memory_space<vmem>>, vector<16xf32>,
        %add3A_412 = arith.constant 3 : i32
        %add3A_413 = vector.broadcast %add3A_412 : i32 to vector<16xi32>
        %add3A_414 = arith.addi %gather3A, %add3A_413 : vector<16xi32>
        %jit3A_415 = arith.constant 0 : i32
        %jit3A_416 = arith.constant 47 : i32
        %max3A_417 = vector.broadcast %jit3A_415 : i32 to vector<16xi32>
        %max3A_418 = arith.maxsi %max3A_417, %add3A_414 : vector<16xi32>
        %min3A_419 = vector.broadcast %jit3A_416 : i32 to vector<16xi32>
        %min3A_420 = arith.minsi %min3A_419, %max3A_418 : vector<16xi32>
        %mul3A_421 = arith.constant 48 : i32
        %mul3A_422 = vector.broadcast %mul3A_421 : i32 to vector<16xi32>
        %mul3A_423 = arith.muli %min3A_420, %mul3A_422 : vector<16xi32>
        %ge3A_424 = arith.constant -3 : i32
        %ge3A_425 = vector.broadcast %ge3A_424 : i32 to vector<16xi32>
        %ge3A_426 = arith.cmpi sge, %gather3A, %ge3A_425 : vector<16xi32>
        %lt3A_427 = arith.constant 45 : i32
        %lt3A_428 = vector.broadcast %lt3A_427 : i32 to vector<16xi32>
        %lt3A_429 = arith.cmpi slt, %gather3A, %lt3A_428 : vector<16xi32>
        %and3A_430 = arith.andi %ge3A_426, %lt3A_429 : vector<16xi1>
        %and3A_431 = arith.andi %and3A_72, %and3A_430 : vector<16xi1>
        %add3A_432 = arith.addi %mul3A_423, %min3A_60 : vector<16xi32>
        %jit3A_433 = arith.constant 1048576 : i32
        %broadcast_in_dim3A_434 = vector.broadcast %jit3A_433 : i32 to vector<16xi32>
        %select_n3A_435 = arith.select %and3A_431, %add3A_432, %broadcast_in_dim3A_434 : vector<16xi1>, vector<16xi32>
        %swap3A_436 = arith.constant 160 : index
        %swap3A_437 = tpu.vector_load %arg12[%swap3A_436] {strides = array<i32>} : memref<240xi32, #tpu.memory_space<vmem>>, vector<16xi32>,
        tpu.vector_store %arg12[%swap3A_436], %select_n3A_435 {strides = array<i32>} : memref<240xi32, #tpu.memory_space<vmem>>, vector<16xi32>,
        %and3A_438 = arith.andi %and3A_72, %and3A_430 : vector<16xi1>
        %jit3A_439 = arith.constant 1.000000e+00 : f32
        %jit3A_440 = arith.constant 0.000000e+00 : f32
        %broadcast_in_dim3A_441 = vector.broadcast %jit3A_439 : f32 to vector<16xf32>
        %broadcast_in_dim3A_442 = vector.broadcast %jit3A_440 : f32 to vector<16xf32>
        %select_n3A_443 = arith.select %and3A_438, %broadcast_in_dim3A_441, %broadcast_in_dim3A_442 : vector<16xi1>, vector<16xf32>
        %swap3A_444 = arith.constant 160 : index
        %swap3A_445 = tpu.vector_load %arg13[%swap3A_444] {strides = array<i32>} : memref<240xf32, #tpu.memory_space<vmem>>, vector<16xf32>,
        tpu.vector_store %arg13[%swap3A_444], %select_n3A_443 {strides = array<i32>} : memref<240xf32, #tpu.memory_space<vmem>>, vector<16xf32>,
        %add3A_446 = arith.constant 4 : i32
        %add3A_447 = vector.broadcast %add3A_446 : i32 to vector<16xi32>
        %add3A_448 = arith.addi %gather3A, %add3A_447 : vector<16xi32>
        %jit3A_449 = arith.constant 0 : i32
        %jit3A_450 = arith.constant 47 : i32
        %max3A_451 = vector.broadcast %jit3A_449 : i32 to vector<16xi32>
        %max3A_452 = arith.maxsi %max3A_451, %add3A_448 : vector<16xi32>
        %min3A_453 = vector.broadcast %jit3A_450 : i32 to vector<16xi32>
        %min3A_454 = arith.minsi %min3A_453, %max3A_452 : vector<16xi32>
        %mul3A_455 = arith.constant 48 : i32
        %mul3A_456 = vector.broadcast %mul3A_455 : i32 to vector<16xi32>
        %mul3A_457 = arith.muli %min3A_454, %mul3A_456 : vector<16xi32>
        %ge3A_458 = arith.constant -4 : i32
        %ge3A_459 = vector.broadcast %ge3A_458 : i32 to vector<16xi32>
        %ge3A_460 = arith.cmpi sge, %gather3A, %ge3A_459 : vector<16xi32>
        %lt3A_461 = arith.constant 44 : i32
        %lt3A_462 = vector.broadcast %lt3A_461 : i32 to vector<16xi32>
        %lt3A_463 = arith.cmpi slt, %gather3A, %lt3A_462 : vector<16xi32>
        %and3A_464 = arith.andi %ge3A_460, %lt3A_463 : vector<16xi1>
        %and3A_465 = arith.andi %and3A_72, %and3A_464 : vector<16xi1>
        %add3A_466 = arith.addi %mul3A_457, %min3A_60 : vector<16xi32>
        %jit3A_467 = arith.constant 1048576 : i32
        %broadcast_in_dim3A_468 = vector.broadcast %jit3A_467 : i32 to vector<16xi32>
        %select_n3A_469 = arith.select %and3A_465, %add3A_466, %broadcast_in_dim3A_468 : vector<16xi1>, vector<16xi32>
        %swap3A_470 = arith.constant 176 : index
        %swap3A_471 = tpu.vector_load %arg12[%swap3A_470] {strides = array<i32>} : memref<240xi32, #tpu.memory_space<vmem>>, vector<16xi32>,
        tpu.vector_store %arg12[%swap3A_470], %select_n3A_469 {strides = array<i32>} : memref<240xi32, #tpu.memory_space<vmem>>, vector<16xi32>,
        %and3A_472 = arith.andi %and3A_72, %and3A_464 : vector<16xi1>
        %jit3A_473 = arith.constant 1.000000e+00 : f32
        %jit3A_474 = arith.constant 0.000000e+00 : f32
        %broadcast_in_dim3A_475 = vector.broadcast %jit3A_473 : f32 to vector<16xf32>
        %broadcast_in_dim3A_476 = vector.broadcast %jit3A_474 : f32 to vector<16xf32>
        %select_n3A_477 = arith.select %and3A_472, %broadcast_in_dim3A_475, %broadcast_in_dim3A_476 : vector<16xi1>, vector<16xf32>
        %swap3A_478 = arith.constant 176 : index
        %swap3A_479 = tpu.vector_load %arg13[%swap3A_478] {strides = array<i32>} : memref<240xf32, #tpu.memory_space<vmem>>, vector<16xf32>,
        tpu.vector_store %arg13[%swap3A_478], %select_n3A_477 {strides = array<i32>} : memref<240xf32, #tpu.memory_space<vmem>>, vector<16xf32>,
        %add3A_480 = arith.constant 5 : i32
        %add3A_481 = vector.broadcast %add3A_480 : i32 to vector<16xi32>
        %add3A_482 = arith.addi %gather3A, %add3A_481 : vector<16xi32>
        %jit3A_483 = arith.constant 0 : i32
        %jit3A_484 = arith.constant 47 : i32
        %max3A_485 = vector.broadcast %jit3A_483 : i32 to vector<16xi32>
        %max3A_486 = arith.maxsi %max3A_485, %add3A_482 : vector<16xi32>
        %min3A_487 = vector.broadcast %jit3A_484 : i32 to vector<16xi32>
        %min3A_488 = arith.minsi %min3A_487, %max3A_486 : vector<16xi32>
        %mul3A_489 = arith.constant 48 : i32
        %mul3A_490 = vector.broadcast %mul3A_489 : i32 to vector<16xi32>
        %mul3A_491 = arith.muli %min3A_488, %mul3A_490 : vector<16xi32>
        %ge3A_492 = arith.constant -5 : i32
        %ge3A_493 = vector.broadcast %ge3A_492 : i32 to vector<16xi32>
        %ge3A_494 = arith.cmpi sge, %gather3A, %ge3A_493 : vector<16xi32>
        %lt3A_495 = arith.constant 43 : i32
        %lt3A_496 = vector.broadcast %lt3A_495 : i32 to vector<16xi32>
        %lt3A_497 = arith.cmpi slt, %gather3A, %lt3A_496 : vector<16xi32>
        %and3A_498 = arith.andi %ge3A_494, %lt3A_497 : vector<16xi1>
        %and3A_499 = arith.andi %and3A_72, %and3A_498 : vector<16xi1>
        %add3A_500 = arith.addi %mul3A_491, %min3A_60 : vector<16xi32>
        %jit3A_501 = arith.constant 1048576 : i32
        %broadcast_in_dim3A_502 = vector.broadcast %jit3A_501 : i32 to vector<16xi32>
        %select_n3A_503 = arith.select %and3A_499, %add3A_500, %broadcast_in_dim3A_502 : vector<16xi1>, vector<16xi32>
        %swap3A_504 = arith.constant 192 : index
        %swap3A_505 = tpu.vector_load %arg12[%swap3A_504] {strides = array<i32>} : memref<240xi32, #tpu.memory_space<vmem>>, vector<16xi32>,
        tpu.vector_store %arg12[%swap3A_504], %select_n3A_503 {strides = array<i32>} : memref<240xi32, #tpu.memory_space<vmem>>, vector<16xi32>,
        %and3A_506 = arith.andi %and3A_72, %and3A_498 : vector<16xi1>
        %jit3A_507 = arith.constant 1.000000e+00 : f32
        %jit3A_508 = arith.constant 0.000000e+00 : f32
        %broadcast_in_dim3A_509 = vector.broadcast %jit3A_507 : f32 to vector<16xf32>
        %broadcast_in_dim3A_510 = vector.broadcast %jit3A_508 : f32 to vector<16xf32>
        %select_n3A_511 = arith.select %and3A_506, %broadcast_in_dim3A_509, %broadcast_in_dim3A_510 : vector<16xi1>, vector<16xf32>
        %swap3A_512 = arith.constant 192 : index
        %swap3A_513 = tpu.vector_load %arg13[%swap3A_512] {strides = array<i32>} : memref<240xf32, #tpu.memory_space<vmem>>, vector<16xf32>,
        tpu.vector_store %arg13[%swap3A_512], %select_n3A_511 {strides = array<i32>} : memref<240xf32, #tpu.memory_space<vmem>>, vector<16xf32>,
        %add3A_514 = arith.constant 6 : i32
        %add3A_515 = vector.broadcast %add3A_514 : i32 to vector<16xi32>
        %add3A_516 = arith.addi %gather3A, %add3A_515 : vector<16xi32>
        %jit3A_517 = arith.constant 0 : i32
        %jit3A_518 = arith.constant 47 : i32
        %max3A_519 = vector.broadcast %jit3A_517 : i32 to vector<16xi32>
        %max3A_520 = arith.maxsi %max3A_519, %add3A_516 : vector<16xi32>
        %min3A_521 = vector.broadcast %jit3A_518 : i32 to vector<16xi32>
        %min3A_522 = arith.minsi %min3A_521, %max3A_520 : vector<16xi32>
        %mul3A_523 = arith.constant 48 : i32
        %mul3A_524 = vector.broadcast %mul3A_523 : i32 to vector<16xi32>
        %mul3A_525 = arith.muli %min3A_522, %mul3A_524 : vector<16xi32>
        %ge3A_526 = arith.constant -6 : i32
        %ge3A_527 = vector.broadcast %ge3A_526 : i32 to vector<16xi32>
        %ge3A_528 = arith.cmpi sge, %gather3A, %ge3A_527 : vector<16xi32>
        %lt3A_529 = arith.constant 42 : i32
        %lt3A_530 = vector.broadcast %lt3A_529 : i32 to vector<16xi32>
        %lt3A_531 = arith.cmpi slt, %gather3A, %lt3A_530 : vector<16xi32>
        %and3A_532 = arith.andi %ge3A_528, %lt3A_531 : vector<16xi1>
        %and3A_533 = arith.andi %and3A_72, %and3A_532 : vector<16xi1>
        %add3A_534 = arith.addi %mul3A_525, %min3A_60 : vector<16xi32>
        %jit3A_535 = arith.constant 1048576 : i32
        %broadcast_in_dim3A_536 = vector.broadcast %jit3A_535 : i32 to vector<16xi32>
        %select_n3A_537 = arith.select %and3A_533, %add3A_534, %broadcast_in_dim3A_536 : vector<16xi1>, vector<16xi32>
        %swap3A_538 = arith.constant 208 : index
        %swap3A_539 = tpu.vector_load %arg12[%swap3A_538] {strides = array<i32>} : memref<240xi32, #tpu.memory_space<vmem>>, vector<16xi32>,
        tpu.vector_store %arg12[%swap3A_538], %select_n3A_537 {strides = array<i32>} : memref<240xi32, #tpu.memory_space<vmem>>, vector<16xi32>,
        %and3A_540 = arith.andi %and3A_72, %and3A_532 : vector<16xi1>
        %jit3A_541 = arith.constant 1.000000e+00 : f32
        %jit3A_542 = arith.constant 0.000000e+00 : f32
        %broadcast_in_dim3A_543 = vector.broadcast %jit3A_541 : f32 to vector<16xf32>
        %broadcast_in_dim3A_544 = vector.broadcast %jit3A_542 : f32 to vector<16xf32>
        %select_n3A_545 = arith.select %and3A_540, %broadcast_in_dim3A_543, %broadcast_in_dim3A_544 : vector<16xi1>, vector<16xf32>
        %swap3A_546 = arith.constant 208 : index
        %swap3A_547 = tpu.vector_load %arg13[%swap3A_546] {strides = array<i32>} : memref<240xf32, #tpu.memory_space<vmem>>, vector<16xf32>,
        tpu.vector_store %arg13[%swap3A_546], %select_n3A_545 {strides = array<i32>} : memref<240xf32, #tpu.memory_space<vmem>>, vector<16xf32>,
        %add3A_548 = arith.constant 7 : i32
        %add3A_549 = vector.broadcast %add3A_548 : i32 to vector<16xi32>
        %add3A_550 = arith.addi %gather3A, %add3A_549 : vector<16xi32>
        %jit3A_551 = arith.constant 0 : i32
        %jit3A_552 = arith.constant 47 : i32
        %max3A_553 = vector.broadcast %jit3A_551 : i32 to vector<16xi32>
        %max3A_554 = arith.maxsi %max3A_553, %add3A_550 : vector<16xi32>
        %min3A_555 = vector.broadcast %jit3A_552 : i32 to vector<16xi32>
        %min3A_556 = arith.minsi %min3A_555, %max3A_554 : vector<16xi32>
        %mul3A_557 = arith.constant 48 : i32
        %mul3A_558 = vector.broadcast %mul3A_557 : i32 to vector<16xi32>
        %mul3A_559 = arith.muli %min3A_556, %mul3A_558 : vector<16xi32>
        %ge3A_560 = arith.constant -7 : i32
        %ge3A_561 = vector.broadcast %ge3A_560 : i32 to vector<16xi32>
        %ge3A_562 = arith.cmpi sge, %gather3A, %ge3A_561 : vector<16xi32>
        %lt3A_563 = arith.constant 41 : i32
        %lt3A_564 = vector.broadcast %lt3A_563 : i32 to vector<16xi32>
        %lt3A_565 = arith.cmpi slt, %gather3A, %lt3A_564 : vector<16xi32>
        %and3A_566 = arith.andi %ge3A_562, %lt3A_565 : vector<16xi1>
        %and3A_567 = arith.andi %and3A_72, %and3A_566 : vector<16xi1>
        %add3A_568 = arith.addi %mul3A_559, %min3A_60 : vector<16xi32>
        %jit3A_569 = arith.constant 1048576 : i32
        %broadcast_in_dim3A_570 = vector.broadcast %jit3A_569 : i32 to vector<16xi32>
        %select_n3A_571 = arith.select %and3A_567, %add3A_568, %broadcast_in_dim3A_570 : vector<16xi1>, vector<16xi32>
        %swap3A_572 = arith.constant 224 : index
        %swap3A_573 = tpu.vector_load %arg12[%swap3A_572] {strides = array<i32>} : memref<240xi32, #tpu.memory_space<vmem>>, vector<16xi32>,
        tpu.vector_store %arg12[%swap3A_572], %select_n3A_571 {strides = array<i32>} : memref<240xi32, #tpu.memory_space<vmem>>, vector<16xi32>,
        %and3A_574 = arith.andi %and3A_72, %and3A_566 : vector<16xi1>
        %jit3A_575 = arith.constant 1.000000e+00 : f32
        %jit3A_576 = arith.constant 0.000000e+00 : f32
        %broadcast_in_dim3A_577 = vector.broadcast %jit3A_575 : f32 to vector<16xf32>
        %broadcast_in_dim3A_578 = vector.broadcast %jit3A_576 : f32 to vector<16xf32>
        %select_n3A_579 = arith.select %and3A_574, %broadcast_in_dim3A_577, %broadcast_in_dim3A_578 : vector<16xi1>, vector<16xf32>
        %swap3A_580 = arith.constant 224 : index
        %swap3A_581 = tpu.vector_load %arg13[%swap3A_580] {strides = array<i32>} : memref<240xf32, #tpu.memory_space<vmem>>, vector<16xf32>,
        tpu.vector_store %arg13[%swap3A_580], %select_n3A_579 {strides = array<i32>} : memref<240xf32, #tpu.memory_space<vmem>>, vector<16xf32>,
        %parallel_loop3A = arith.constant 0 : i32
        %parallel_loop3A_582 = arith.constant 450 : i32
        %parallel_loop3A_583 = arith.constant 1 : i32
        scf.for %parallel_loop3A_603 = %parallel_loop3A to %parallel_loop3A_582 step %parallel_loop3A_583  : i32 {
          %parallel_loop3A_604 = arith.constant 16 : i32
          %parallel_loop3A_605 = arith.muli %parallel_loop3A_603, %parallel_loop3A_604 : i32
          %parallel_loop3A_606 = arith.index_cast %parallel_loop3A_605 : i32 to index
          %parallel_loop3A_607 = tpu.vector_load %arg10[%parallel_loop3A_606] {strides = array<i32>} : memref<7200xi32, #tpu.memory_space<vmem>>, vector<16xi32>,
          %parallel_loop3A_608 = arith.constant 8 : i32
          %parallel_loop3A_609 = vector.broadcast %parallel_loop3A_608 : i32 to vector<16xi32>
          %parallel_loop3A_610 = arith.shrsi %parallel_loop3A_607, %parallel_loop3A_609 : vector<16xi32>
          %parallel_loop3A_611 = arith.constant 255 : i32
          %parallel_loop3A_612 = vector.broadcast %parallel_loop3A_611 : i32 to vector<16xi32>
          %parallel_loop3A_613 = arith.andi %parallel_loop3A_607, %parallel_loop3A_612 : vector<16xi32>
          %parallel_loop3A_614 = tpu.vector_load_idx %arg12[%parallel_loop3A_613] : memref<240xi32, #tpu.memory_space<vmem>>[vector<16xi32>], vector<16xi32>,
          %parallel_loop3A_615 = arith.addi %parallel_loop3A_610, %parallel_loop3A_614 : vector<16xi32>
          %parallel_loop3A_616 = arith.constant 73728 : i32
          %parallel_loop3A_617 = vector.broadcast %parallel_loop3A_616 : i32 to vector<16xi32>
          %parallel_loop3A_618 = arith.minsi %parallel_loop3A_615, %parallel_loop3A_617 : vector<16xi32>
          %parallel_loop3A_619 = tpu.vector_load_idx %arg15[%parallel_loop3A_618] : memref<73744xf32, #tpu.memory_space<vmem>>[vector<16xi32>], vector<16xf32>,
          %parallel_loop3A_620 = arith.constant 0 : i32
          %parallel_loop3A_621 = tpu.memref_slice %arg16[%and3A_50, %parallel_loop3A_620] : memref<2x7440xf32, #tpu.memory_space<vmem>> -> memref<1x7440xf32, #tpu.memory_space<vmem>>
          %parallel_loop3A_622 = tpu.memref_squeeze %parallel_loop3A_621 : memref<1x7440xf32, #tpu.memory_space<vmem>> -> memref<7440xf32, #tpu.memory_space<vmem>>
          %parallel_loop3A_623 = arith.index_cast %parallel_loop3A_605 : i32 to index
          %parallel_loop3A_624 = tpu.vector_load %parallel_loop3A_622[%parallel_loop3A_623] {strides = array<i32>} : memref<7440xf32, #tpu.memory_space<vmem>>, vector<16xf32>,
          tpu.vector_store %parallel_loop3A_622[%parallel_loop3A_623], %parallel_loop3A_619 {strides = array<i32>} : memref<7440xf32, #tpu.memory_space<vmem>>, vector<16xf32>,
        } {sc.loop_unroll_factor = 8 : i64, sc.parallel_access}
        %mul3A_584 = arith.constant 16 : i32
        %mul3A_585 = arith.muli %add3A, %mul3A_584 : i32
        %add3A_586 = arith.addi %mul3A_585, %scan3A_49 : i32
        %mul3A_587 = arith.constant 14632 : i32
        %mul3A_588 = arith.muli %add3A_586, %mul3A_587 : i32
        %mul3A_589 = arith.constant 7200 : i32
        %mul3A_590 = arith.muli %scan3A_12, %mul3A_589 : i32
        %add3A_591 = arith.addi %mul3A_588, %mul3A_590 : i32
        %dma_start3A = arith.constant 0 : i32
        %dma_start3A_592 = tpu.memref_slice %arg16[%and3A_50, %dma_start3A] : memref<2x7440xf32, #tpu.memory_space<vmem>> -> memref<1x7200xf32, #tpu.memory_space<vmem>>
        %dma_start3A_593 = tpu.memref_squeeze %dma_start3A_592 : memref<1x7200xf32, #tpu.memory_space<vmem>> -> memref<7200xf32, #tpu.memory_space<vmem>>
        %dma_start3A_594 = tpu.memref_slice %arg7[%add3A_591] : memref<7491584xf32, #tpu.memory_space<hbm>> -> memref<7200xf32, #tpu.memory_space<hbm>>
        %dma_start3A_595 = tpu.memref_slice %arg7[%add3A_591] : memref<7491584xf32, #tpu.memory_space<hbm>> -> memref<7200xf32, #tpu.memory_space<hbm>>
        %dma_start3A_596 = arith.constant 0 : i32
        %dma_start3A_597 = tpu.memref_slice %arg16[%and3A_50, %dma_start3A_596] : memref<2x7440xf32, #tpu.memory_space<vmem>> -> memref<1x7200xf32, #tpu.memory_space<vmem>>
        %dma_start3A_598 = tpu.memref_squeeze %dma_start3A_597 : memref<1x7200xf32, #tpu.memory_space<vmem>> -> memref<7200xf32, #tpu.memory_space<vmem>>
        tpu.enqueue_dma source(%dma_start3A_598 : memref<7200xf32, #tpu.memory_space<vmem>>) target(%dma_start3A_595 : memref<7200xf32, #tpu.memory_space<hbm>>) target_semaphore(%arg17 : memref<!tpu.dma_semaphore, #tpu.memory_space<semaphore_mem>>)
        %eq3A = arith.constant 1 : i32
        %eq3A_599 = arith.cmpi eq, %scan3A_12, %eq3A : i32
        %convert_element_type3A_600 = arith.extui %eq3A_599 : i1 to i32
        %cond3A_601 = arith.constant 0 : i32
        %cond3A_602 = arith.cmpi ne, %convert_element_type3A_600, %cond3A_601 : i32
        scf.if %cond3A_602 {
          %parallel_loop3A_603 = arith.constant 0 : i32
          %parallel_loop3A_604 = arith.constant 15 : i32
          %parallel_loop3A_605 = arith.constant 1 : i32
          scf.for %parallel_loop3A_610 = %parallel_loop3A_603 to %parallel_loop3A_604 step %parallel_loop3A_605  : i32 {
            %parallel_loop3A_611 = arith.constant 16 : i32
            %parallel_loop3A_612 = arith.muli %parallel_loop3A_610, %parallel_loop3A_611 : i32
            %parallel_loop3A_613 = arith.index_cast %parallel_loop3A_612 : i32 to index
            %parallel_loop3A_614 = tpu.vector_load %arg11[%parallel_loop3A_613] {strides = array<i32>} : memref<240xi32, #tpu.memory_space<vmem>>, vector<16xi32>,
            %parallel_loop3A_615 = tpu.vector_load_idx %arg13[%parallel_loop3A_614] : memref<240xf32, #tpu.memory_space<vmem>>[vector<16xi32>], vector<16xf32>,
            %parallel_loop3A_616 = arith.constant 16 : i32
            %parallel_loop3A_617 = arith.muli %parallel_loop3A_610, %parallel_loop3A_616 : i32
            %parallel_loop3A_618 = arith.index_cast %parallel_loop3A_617 : i32 to index
            %parallel_loop3A_619 = tpu.vector_load %arg14[%parallel_loop3A_618] {strides = array<i32>} : memref<240xf32, #tpu.memory_space<vmem>>, vector<16xf32>,
            tpu.vector_store %arg14[%parallel_loop3A_618], %parallel_loop3A_615 {strides = array<i32>} : memref<240xf32, #tpu.memory_space<vmem>>, vector<16xf32>,
          } {sc.loop_unroll_factor = 5 : i64, sc.parallel_access}
          %mul3A_606 = arith.constant 14632 : i32
          %mul3A_607 = arith.muli %add3A_586, %mul3A_606 : i32
          %add3A_608 = arith.constant 14400 : i32
          %add3A_609 = arith.addi %mul3A_607, %add3A_608 : i32
          "tpu.region"() ({
            %run_scoped3A = tpu.sem_alloc : memref<!tpu.dma_semaphore, #tpu.memory_space<semaphore_mem>>
            %dma_start3A_610 = arith.constant 0 : i32
            %dma_start3A_611 = tpu.memref_slice %arg14[%dma_start3A_610] : memref<240xf32, #tpu.memory_space<vmem>> -> memref<225xf32, #tpu.memory_space<vmem>>
            %dma_start3A_612 = tpu.memref_slice %arg7[%add3A_609] : memref<7491584xf32, #tpu.memory_space<hbm>> -> memref<225xf32, #tpu.memory_space<hbm>>
            %dma_start3A_613 = tpu.memref_slice %arg7[%add3A_609] : memref<7491584xf32, #tpu.memory_space<hbm>> -> memref<225xf32, #tpu.memory_space<hbm>>
            %dma_start3A_614 = arith.constant 0 : i32
            %dma_start3A_615 = tpu.memref_slice %arg14[%dma_start3A_614] : memref<240xf32, #tpu.memory_space<vmem>> -> memref<225xf32, #tpu.memory_space<vmem>>
            tpu.enqueue_dma source(%dma_start3A_615 : memref<225xf32, #tpu.memory_space<vmem>>) target(%dma_start3A_613 : memref<225xf32, #tpu.memory_space<hbm>>) target_semaphore(%run_scoped3A : memref<!tpu.dma_semaphore, #tpu.memory_space<semaphore_mem>>)
            %dma_wait3A_616 = arith.constant 0 : i32
            %dma_wait3A_617 = tpu.memref_slice %arg14[%dma_wait3A_616] : memref<240xf32, #tpu.memory_space<vmem>> -> memref<225xf32, #tpu.memory_space<vmem>>
            %dma_wait3A_618 = tpu.memref_slice %arg7[%add3A_609] : memref<7491584xf32, #tpu.memory_space<hbm>> -> memref<225xf32, #tpu.memory_space<hbm>>
            %dma_wait3A_619 = tpu.memref_slice %arg7[%add3A_609] : memref<7491584xf32, #tpu.memory_space<hbm>> -> memref<225xf32, #tpu.memory_space<hbm>>
            %dma_wait3A_620 = arith.constant 0 : i32
            %dma_wait3A_621 = tpu.memref_slice %arg14[%dma_wait3A_620] : memref<240xf32, #tpu.memory_space<vmem>> -> memref<225xf32, #tpu.memory_space<vmem>>
            tpu.wait_dma2 semaphore(%run_scoped3A : memref<!tpu.dma_semaphore, #tpu.memory_space<semaphore_mem>>) src(%dma_wait3A_621 : memref<225xf32, #tpu.memory_space<vmem>>) dst(%dma_wait3A_619 : memref<225xf32, #tpu.memory_space<hbm>>)
            tpu.yield
          }) : () -> ()
        } else {
        }
      }
      %scan3A_27 = arith.constant 16 : i32
      %dma_wait3A = arith.constant 0 : i32
      %dma_wait3A_28 = arith.constant 0 : i32
      %dma_wait3A_29 = tpu.memref_slice %arg16[%dma_wait3A, %dma_wait3A_28] : memref<2x7440xf32, #tpu.memory_space<vmem>> -> memref<1x7200xf32, #tpu.memory_space<vmem>>
      %dma_wait3A_30 = tpu.memref_squeeze %dma_wait3A_29 : memref<1x7200xf32, #tpu.memory_space<vmem>> -> memref<7200xf32, #tpu.memory_space<vmem>>
      %dma_wait3A_31 = arith.constant 0 : i32
      %dma_wait3A_32 = tpu.memref_slice %arg2[%dma_wait3A_31] : memref<4718592xf32, #tpu.memory_space<hbm>> -> memref<7200xf32, #tpu.memory_space<hbm>>
      %dma_wait3A_33 = arith.constant 0 : i32
      %dma_wait3A_34 = tpu.memref_slice %arg16[%dma_wait3A, %dma_wait3A_33] : memref<2x7440xf32, #tpu.memory_space<vmem>> -> memref<1x7200xf32, #tpu.memory_space<vmem>>
      %dma_wait3A_35 = tpu.memref_squeeze %dma_wait3A_34 : memref<1x7200xf32, #tpu.memory_space<vmem>> -> memref<7200xf32, #tpu.memory_space<vmem>>
      %dma_wait3A_36 = arith.constant 0 : i32
      %dma_wait3A_37 = tpu.memref_slice %arg2[%dma_wait3A_36] : memref<4718592xf32, #tpu.memory_space<hbm>> -> memref<7200xf32, #tpu.memory_space<hbm>>
      tpu.wait_dma2 semaphore(%arg17 : memref<!tpu.dma_semaphore, #tpu.memory_space<semaphore_mem>>) src(%dma_wait3A_37 : memref<7200xf32, #tpu.memory_space<hbm>>) dst(%dma_wait3A_35 : memref<7200xf32, #tpu.memory_space<vmem>>)
      %dma_wait3A_38 = arith.constant 1 : i32
      %dma_wait3A_39 = arith.constant 0 : i32
      %dma_wait3A_40 = tpu.memref_slice %arg16[%dma_wait3A_38, %dma_wait3A_39] : memref<2x7440xf32, #tpu.memory_space<vmem>> -> memref<1x7200xf32, #tpu.memory_space<vmem>>
      %dma_wait3A_41 = tpu.memref_squeeze %dma_wait3A_40 : memref<1x7200xf32, #tpu.memory_space<vmem>> -> memref<7200xf32, #tpu.memory_space<vmem>>
      %dma_wait3A_42 = arith.constant 0 : i32
      %dma_wait3A_43 = tpu.memref_slice %arg2[%dma_wait3A_42] : memref<4718592xf32, #tpu.memory_space<hbm>> -> memref<7200xf32, #tpu.memory_space<hbm>>
      %dma_wait3A_44 = arith.constant 0 : i32
      %dma_wait3A_45 = tpu.memref_slice %arg16[%dma_wait3A_38, %dma_wait3A_44] : memref<2x7440xf32, #tpu.memory_space<vmem>> -> memref<1x7200xf32, #tpu.memory_space<vmem>>
      %dma_wait3A_46 = tpu.memref_squeeze %dma_wait3A_45 : memref<1x7200xf32, #tpu.memory_space<vmem>> -> memref<7200xf32, #tpu.memory_space<vmem>>
      %dma_wait3A_47 = arith.constant 0 : i32
      %dma_wait3A_48 = tpu.memref_slice %arg2[%dma_wait3A_47] : memref<4718592xf32, #tpu.memory_space<hbm>> -> memref<7200xf32, #tpu.memory_space<hbm>>
      tpu.wait_dma2 semaphore(%arg17 : memref<!tpu.dma_semaphore, #tpu.memory_space<semaphore_mem>>) src(%dma_wait3A_48 : memref<7200xf32, #tpu.memory_space<hbm>>) dst(%dma_wait3A_46 : memref<7200xf32, #tpu.memory_space<vmem>>)
    }
    %scan3A_11 = arith.constant 2 : i32
    return
  }
}

</mosaic_0001>

<sc_bundles>
// kernel: kernel.3.cloned.1.call-start
scs
__scs_entry_jumppad:
0x0: {  	(pc) =	sbr.rel $0x88, $3  }
0x1: {  	(tag) =	ssettag $0x0;
	lr =	simm.s32 $0x1  }
0x2: {  	[smem:$0x3F9D] =	sst lr;
	_ =	strace $0xD0000000  }
0x3: {  	_ = 	snop  }
0x4: {  	_ = 	snop  }
0x5: {  	_ = 	snop  }
0x6: {  	_ = 	snop  }
0x7: {  	_ = 	snop  }
__scs_overlays_trampoline_lowered:
0x8: {  	[smem:$0x3FAC] =	sst s0  }
0x9: {  	[smem:$0x3FAD] =	sst s1  }
0xa: {  	[smem:$0x3FAE] =	sst s2  }
0xb: {  	[smem:$0x3FAF] =	sst s3  }
0xc: {  	[smem:$0x3FB0] =	sst s4  }
0xd: {  	[smem:$0x3FB1] =	sst s5  }
0xe: {  	[smem:$0x3FB2] =	sst s6  }
0xf: {  	[smem:$0x3FB3] =	sst s7  }
0x10: {  	[smem:$0x3FB4] =	sst s8  }
0x11: {  	[smem:$0x3FB5] =	sst s9;
	s0 =	simm.s32 @!p0 $0x0  }
0x12: {  	s1 =	sld [smem:$0x3F9B];
	s0 =	simm.s32 @p0 $0x1  }
0x13: {  	[smem:$0x3FB6] =	sst s0;
	s0 =	simm.s32 @!p1 $0x0  }
0x14: {  	s2 =	sld [smem:$0x3F9A];
	s0 =	simm.s32 @p1 $0x1  }
0x15: {  	[smem:$0x3FB7] =	sst s0;
	s0 =	simm.s32 @!p2 $0x0  }
0x16: {  	s3 =	sld [smem:$0x3FDB];
	s0 =	simm.s32 @p2 $0x1  }
0x17: {  	s4 =	simm.s32 $0x1BF5;
	[smem:$0x3FB9] =	sst s0  }
0x18: {  	s0 =	sld [smem:$0x3F9C];
	_ =	swait.ge [sflag:s4], $0x0  }
0x19: {  	s7 =	sld [smem:$0x3F9D]  }
0x1a: {  	s8 =	sadd.s32 $0xFFFFE003, lr  }
0x1b: {  	s9 =	sadd.s32 $0xFFFFFEF7, lr;
	s5 =	simm.s32 $0xFFFFFFFF;
	p2 =	slt.u32 s8, $0xFFFFF086  }
0x1c: {  	p1 =	slt.u32 s9, $0xF7A;
	s5 =	simm.s32 @!p2 $0x0  }
0x1d: {  	s5 =	simm.s32 @p1 $0x1;
	p0 =	seq.s32 s7, s2  }
0x1e: {  	s7 =	smul.u32 @!p0 $0xF7A, s2;
	p2 =	seq.s32 @!p0 s5, $0x0  }
0x1f: {  	s9 =	smul.u32 $0xF7A, s1;
	s8 =	simm.s32 @!p0 $0x1BF5;
	p2 =	por !p2, p0  }
0x20: {  	[sflag:s8] =	ssyncset.s32 @!p0 $0xFFFFF086;
	s6 =	sadd.s32 @!p0 s3, s7;
	s7 =	simm.s32 @!p0 $0x108  }
0x21: {  	s3 =	sadd.s32 s3, s9;
	s6 =	sadd.s32 @!p0 $0x88, s6;
	s7 =	simm.s32 @p2 $0x1082  }
0x22: {  	[simem:s7], [sflag:s8] =	dma.local @!p0 [hbm:s6], $0xF7A  }
0x23: {  	s9 =	sor.u32 $0xD0000000, s2;
	s6 =	simm.s32 $0x108;
	_ =	swait.ge @!p0 [sflag:s8], $0x0  }
0x24: {  	s3 =	sadd.s32 $0x88, s3;
	s6 =	simm.s32 @!p1 $0x1082;
	[sflag:s4] =	ssyncset.s32 $0xFFFFF086  }
0x25: {  	[simem:s6], [sflag:s4] =	dma.local [hbm:s3], $0xF7A  }
0x26: {  	[smem:$0x3F9D] =	sst s1;
	(tag) =	ssettag s2;
	_ =	strace s9  }
0x27: {  	s1 =	sld [smem:$0x3FAD]  }
0x28: {  	s2 =	sld [smem:$0x3FAE]  }
0x29: {  	s4 =	sld [smem:$0x3FB0]  }
0x2a: {  	p0 =	seq.s32 s5, $0x0;
	s5 =	sld [smem:$0x3FB1]  }
0x2b: {  	s6 =	sld [smem:$0x3FB2]  }
0x2c: {  	s7 =	sld [smem:$0x3FB3]  }
0x2d: {  	s3 =	simm.s32 $0x108;
	s8 =	sld [smem:$0x3FB4]  }
0x2e: {  	s3 =	simm.s32 @!p0 $0x1082;
	s9 =	sld [smem:$0x3FB5]  }
0x2f: {  	lr =	sadd.s32 s0, s3;
	s0 =	sld [smem:$0x3FAC]  }
0x30: {  	s3 =	sld [smem:$0x3FAF]  }
0x31: {  	[smem:$0x3FB8] =	sst s10  }
0x32: {  	s10 =	sld [smem:$0x3FB6];
	_ =	sdelay $0x3  }
0x33: {  	p0 =	seq.s32 s10, $0x1;
	s10 =	sld [smem:$0x3FB8];
	_ =	sdelay $0x3  }
0x34: {  	[smem:$0x3FB8] =	sst s10  }
0x35: {  	s10 =	sld [smem:$0x3FB7];
	_ =	sdelay $0x3  }
0x36: {  	p1 =	seq.s32 s10, $0x1;
	s10 =	sld [smem:$0x3FB8];
	_ =	sdelay $0x3  }
0x37: {  	[smem:$0x3FB8] =	sst s10  }
0x38: {  	s10 =	sld [smem:$0x3FB9]  }
0x39: {  	_ = 	snop;
	(pc) =	sbr.ind lr, $3  }
0x3a: {  	_ = 	snop  }
0x3b: {  	_ = 	snop  }
0x3c: {  	p2 =	seq.s32 s10, $0x1;
	s10 =	sld [smem:$0x3FB8]  }
0x3d: {  	_ =	shalt  }
0x3e: {  	_ =	shalt  }
0x3f: {  	_ =	shalt  }
0x40: {  	_ =	shalt  }
0x41: {  	_ =	shalt  }
0x42: {  	_ =	shalt  }
0x43: {  	_ =	shalt  }
0x44: {  	_ =	shalt  }
0x45: {  	_ =	shalt  }
0x46: {  	_ =	shalt  }
0x47: {  	_ =	shalt  }
0x48: {  	_ =	shalt  }
0x49: {  	_ =	shalt  }
0x4a: {  	_ =	shalt  }
0x4b: {  	_ =	shalt  }
0x4c: {  	_ =	shalt  }
0x4d: {  	_ =	shalt  }
0x4e: {  	_ =	shalt  }
0x4f: {  	_ =	shalt  }
0x50: {  	_ =	shalt  }
0x51: {  	_ =	shalt  }
0x52: {  	_ =	shalt  }
0x53: {  	_ =	shalt  }
0x54: {  	_ =	shalt  }
0x55: {  	_ =	shalt  }
0x56: {  	_ =	shalt  }
0x57: {  	_ =	shalt  }
0x58: {  	_ =	shalt  }
0x59: {  	_ =	shalt  }
0x5a: {  	_ =	shalt  }
0x5b: {  	_ =	shalt  }
0x5c: {  	_ =	shalt  }
0x5d: {  	_ =	shalt  }
0x5e: {  	_ =	shalt  }
0x5f: {  	_ =	shalt  }
0x60: {  	_ =	shalt  }
0x61: {  	_ =	shalt  }
0x62: {  	_ =	shalt  }
0x63: {  	_ =	shalt  }
0x64: {  	_ =	shalt  }
0x65: {  	_ =	shalt  }
0x66: {  	_ =	shalt  }
0x67: {  	_ =	shalt  }
0x68: {  	_ =	shalt  }
0x69: {  	_ =	shalt  }
0x6a: {  	_ =	shalt  }
0x6b: {  	_ =	shalt  }
0x6c: {  	_ =	shalt  }
0x6d: {  	_ =	shalt  }
0x6e: {  	_ =	shalt  }
0x6f: {  	_ =	shalt  }
0x70: {  	_ =	shalt  }
0x71: {  	_ =	shalt  }
0x72: {  	_ =	shalt  }
0x73: {  	_ =	shalt  }
0x74: {  	_ =	shalt  }
0x75: {  	_ =	shalt  }
0x76: {  	_ =	shalt  }
0x77: {  	_ =	shalt  }
0x78: {  	_ =	shalt  }
0x79: {  	_ =	shalt  }
0x7a: {  	_ =	shalt  }
0x7b: {  	_ =	shalt  }
0x7c: {  	_ =	shalt  }
0x7d: {  	_ =	shalt  }
0x7e: {  	_ =	shalt  }
0x7f: {  	_ =	shalt  }
0x80: {  	_ =	shalt  }
0x81: {  	_ =	shalt  }
0x82: {  	_ =	shalt  }
0x83: {  	_ =	shalt  }
0x84: {  	_ =	shalt  }
0x85: {  	_ =	shalt  }
0x86: {  	_ =	shalt  }
0x87: {  	_ =	shalt  }
.Lfunc_end0:
.L_simem_size_0:
called_computation_lowered:
.L_overlay_start_0:
0x88: {  	s2 =	sld [smem:$0x3FD9]  }
0x89: {  	s3 =	sld [smem:$0x3FFE];
	_ =	sdelay $0x1  }
0x8a: {  	s1 =	srdreg.scid  }
0x8b: {  	s0 =	sand.u32 $0x1, s1  }
0x8c: {  	s17 =	sshll.u32 s0, $0xA;
	s2 =	sadd.s32 s3, s2  }
0x8d: {  	s2 =	sadd.s32 s2, s17  }
0x8e: {  	[smem:$0x3FC4] =	sst s2  }
0x8f: {  	_ = 	snop  }
0x90: {  	s2 =	sld [smem:$0x3FD0];
	(tm) =	ssettm $0x1  }
0x91: {  	s18 =	sld [smem:$0x3FFB];
	_ =	sdelay $0x3  }
0x92: {  	_ =	strace s18  }
0x93: {  	s3 =	sld [smem:$0x3FFC];
	_ =	sdelay $0x3  }
0x94: {  	_ =	strace s3  }
0x95: {  	s3 =	sld [smem:$0x3FFD];
	_ =	sdelay $0x3  }
0x96: {  	_ =	strace s3  }
0x97: {  	_ =	strace $0x8FFFFFFF  }
0x98: {  	s19 =	sld [smem:$0x3FDB];
	_ =	sdelay $0x1  }
0x99: {  	s4 =	simm.s32 $_scs_section_size  }
0x9a: {  	s5 =	simm.s32 $_size__tile_overlayer_lowered;
	s6 =	simm.s32 $_tile_overlayer_lowered  }
0x9b: {  	s22 =	simm.s32 $0x1BFF;
	s21 =	sshll.u32 s6, $0x1;
	s3 =	sadd.s32 s4, s19  }
0x9c: {  	s7 =	simm.s32 $0x0;
	s20 =	sshll.u32 s5, $0x1;
	s5 =	sadd.s32 s21, s3  }
0x9d: {  	[timem:s7], [sflag:s22] =	dma.local [hbm:s5], s20  }
0x9e: {  	_ =	swait.ge [sflag:s22], s20  }
0x9f: {  	s4 =	ssub.s32 $0x0, s20;
	[sflag:s22] =	ssyncset.done $0x0  }
0xa0: {  	[sflag:s22] =	ssyncadd.s32 s4;
	_ =	sdelay $0x1  }
0xa1: {  	s23 =	simm.s32 $0x1B8B  }
0xa2: {  	_ =	swait.ge [sflag:s23], $0x1  }
0xa3: {  	[sflag:s23] =	ssyncset.done $0x0  }
0xa4: {  	s25 =	simm.s32 $0x1B8E;
	s24 =	sld [smem:$0x3FFE];
	[sflag:s23] =	ssyncadd.s32 $0xFFFFFFFF  }
0xa5: {  	s26 =	simm.s32 $execute0_lowered;
	[smem:$0x3FD2] =	sst s25  }
0xa6: {  	s5 =	sshll.u32 s26, $0x1;
	_ =	strace $0x80000046;
	[dreg:$0x1] =	wrdreg $0xFFFFFFFF  }
0xa7: {  	s28 =	simm.s32 $_size_execute0_lowered;
	s3 =	sadd.s32 s3, s5;
	[dreg:$0x0] =	wrdreg $0x0  }
0xa8: {  	s5 =	sshll.u32 s28, $0x1;
	[dreg:$0x2] =	wrdreg s3  }
0xa9: {  	[dreg:$0x3] =	wrdreg s5  }
0xaa: {  	[dreg:$0x4] =	wrdreg $0xC0  }
0xab: {  	_ =	task [dreg:s7], $0x5FFFF  }
0xac: {  	[dreg:$0x1] =	wrdreg $0xFFFFFFFF  }
0xad: {  	[dreg:$0x0] =	wrdreg $0x60  }
0xae: {  	[dreg:$0x2] =	wrdreg s24  }
0xaf: {  	[dreg:$0x3] =	wrdreg s2  }
0xb0: {  	[dreg:$0x4] =	wrdreg $0x9  }
0xb1: {  	_ =	task.clear_ibuf [dreg:s7], $0x5FFFF;
	_ =	strace $0x90000046  }
0xb2: {  	s29 =	simm.s32 $0x9;
	_ =	strace $0x80000048  }
0xb3: {  	_ =	swait.ge [sflag:s29], $0x1  }
0xb4: {  	[sflag:s29] =	ssyncadd.s32 $0xFFFFFFFF  }
0xb5: {  	_ =	strace $0x90000048  }
0xb6: {  	_ =	sfence  }
0xb7: {  	s30 =	sld [smem:$0x0];
	_ =	sdelay $0x2  }
0xb8: {  	s31 =	sshll.u32 s1, $0xD;
	s1 =	sshrl.u32 s1, $0x2  }
0xb9: {  	s3 =	sand.u32 $0x4000, s31;
	s1 =	sadd.s32 s1, s30  }
0xba: {  	s0 =	sor.u32 s3, s0;
	s1 =	sshll.u32 s1, $0x11  }
0xbb: {  	s0 =	sor.u32 s1, s0  }
0xbc: {  	s0 =	sadd.s32 $0x8F2B, s0  }
0xbd: {  	[sflag:s0] =	ssyncadd.remote.s32 $0x1  }
0xbe: {  	_ =	sfence.sel $0xFFFF  }
0xbf: {  	[dreg:$0x0] =	wrdreg $0xFFFFFFFF;
	(pc) =	sbr.abs _section_cstart, $3  }
0xc0: {  	[dreg:$0x1] =	wrdreg $0xFFFFFFFF  }
0xc1: {  	_ =	task.clear_ibuf [dreg:s7], $0x2FFFF;
	_ =	strace $0x9FFFFFFF  }
0xc2: {  	(tm) =	ssettm $0x7FFFFFFF  }
0xc3: {  	_ =	shalt  }
tec
execute0_lowered:
.L_overlay_start_1:
0x0: {  	(tag) =	ssettag $0x1  }
0x1: {  	s6 =	rddreg [dreg:$0x0]  }
0x2: {  	s2 =	rddreg [dreg:$0x1]  }
0x3: {  	s0 =	rddreg [dreg:$0x2];
	s4 =	srdreg.scid  }
0x4: {  	s1 =	stileid.u32;
	s3 =	simm.s32 $0x0;
	s12 =	simm.s32 $0x2  }
0x5: {  	s13 =	simm.s32 $0x10;
	s14 =	simm.s32 $0x20;
	s15 =	simm.s32 $0x1C40  }
0x6: {  	s16 =	simm.s32 $0x2000;
	s17 =	simm.s32 $0x1D30;
	s18 =	simm.s32 $0x1E20  }
0x7: {  	s19 =	simm.s32 $0x1F10;
	s20 =	simm.s32 $0x0;
	s5 =	sand.u32 $0x1, s4  }
0x8: {  	s30 =	sshll.u32 s1, $0x1;
	[smem:$0x7FF] =	sst s3;
	s4 =	sadd.s32 $0x180E00, s6  }
.Ltmp0:
0x9: {  	s10 =	sor.u32 s5, s30;
	_ =	strace $0x80000047;
	(pc) =	sbr.rel .LBB2_1-.Ltmp0, $4  }
0xa: {  	s31 =	ssub.s32 $0x2, s5;
	s5 =	sadd.s32 $0x1200, s6;
	s7 =	sshll.u32 s10, $0x1  }
0xb: {  	s8 =	sshrl.u32 s31, $0x1;
	s9 =	sadd.s32 s7, s6;
	s6 =	sadd.s32 $0x1600, s6  }
0xc: {  	v1 =	vlaneseq.u32;
	s11 =	ssub.s32 s31, s8;
	s7 =	sshll.u32 s10, $0x4;
	s10 =	sshll.u32 s10, $0x6  }
0xd: {  	v0 =	vimm.f32 $0.0e+00;
	vm0 =	vmmov $0x7fff;
	v1 =	vadd.s32 $0xFFFFFFF9, v1;
	s8 =	sadd.s32 $0xE00, s9;
	s9 =	sadd.s32 $0x1000, s9;
	s11 =	smax.u32 s11, $0x1  }
.LBB2_13:
0xe: {  	s20 =	sadd.s32 $0x1, s20  }
0xf: {  	p0 =	sne.s32 s20, s11  }
.Ltmp1:
0x10: {  	_ = 	snop;
	(pc) =	sbr.rel @!p0 .LBB2_14-.Ltmp1, $1  }
0x11: {  	_ =	sdelay $0x3  }
.LBB2_1:
0x12: {  	[tilespmem:s3], [sflag:$0x2] =	stream.linear.gather [hbm4b:s8+s3], $0x10, $0x38;
	[tilespmem:$0x17A30] =	vst v63  }
0x13: {  	_ =	swait.ge [sflag:s12], $0x10  }
0x14: {  	[sflag:s12] =	ssyncset.done $0x0  }
0x15: {  	[sflag:s12] =	ssyncadd.s32 $0xFFFFFFF0  }
0x16: {  	[tilespmem:s13], [sflag:$0x2] =	stream.linear.gather [hbm4b:s9+s3], $0x10, $0x38;
	[tilespmem:$0x17A30] =	vst v63  }
0x17: {  	_ =	swait.ge [sflag:s12], $0x10  }
0x18: {  	[sflag:s12] =	ssyncset.done $0x0  }
0x19: {  	[sflag:s12] =	ssyncadd.s32 $0xFFFFFFF0  }
0x1a: {  	[tilespmem:s14], [sflag:$0x2] =	stream.linear.gather [hbm4b:s5+s3], $0x1C20, $0x38;
	[tilespmem:$0x17A30] =	vst v63  }
0x1b: {  	_ =	swait.ge [sflag:s12], $0x1C20  }
0x1c: {  	[sflag:s12] =	ssyncset.done $0x0  }
0x1d: {  	[sflag:s12] =	ssyncadd.s32 $0xFFFFE3E0  }
0x1e: {  	[tilespmem:s15], [sflag:$0x2] =	stream.linear.gather [hbm4b:s6+s3], $0xF0, $0x38;
	[tilespmem:$0x17A30] =	vst v63  }
.Ltmp2:
0x1f: {  	_ = 	snop;
	(pc) =	sbr.rel .LBB2_2-.Ltmp2, $4  }
0x20: {  	_ =	swait.ge [sflag:s12], $0xF0  }
0x21: {  	[sflag:s12] =	ssyncset.done $0x0  }
0x22: {  	[sflag:s12] =	ssyncadd.s32 $0xFFFFFF10  }
0x23: {  	p2 =	por $0x1, $0x1;
	p0 =	por $0x0, $0x0;
	s22 =	simm.s32 $0x0;
	[tilespmem:$0x14000] =	vst v0  }
.LBB2_12:
0x24: {  	s22 =	simm.s32 $0x1  }
0x25: {  	_ =	swait.ge [sflag:s22], $0x1C20  }
.Ltmp3:
0x26: {  	[sflag:s22] =	ssyncset.done $0x0;
	(pc) =	sbr.rel @!p1 .LBB2_13-.Ltmp3, $4  }
0x27: {  	[sflag:s22] =	ssyncadd.s32 $0xFFFFE3E0  }
0x28: {  	_ =	swait.ge [sflag:s22], $0x1C20  }
0x29: {  	[sflag:s22] =	ssyncset.done $0x0  }
0x2a: {  	p2 =	por $0x0, $0x0;
	p0 =	por $0x1, $0x1;
	[sflag:s22] =	ssyncadd.s32 $0xFFFFE3E0  }
.LBB2_2:
0x2b: {  	s21 =	sshll.u32 s22, $0x5  }
0x2c: {  	s21 =	sor.u32 s10, s21  }
0x2d: {  	s21 =	smul.u32 $0x120, s21;
	_ =	sdelay $0x1  }
.Ltmp4:
0x2e: {  	s23 =	sadd.s32 s4, s21;
	s21 =	simm.s32 $0x0;
	(pc) =	sbr.rel .LBB2_3-.Ltmp4, $4  }
0x2f: {  	[tilespmem:s16], [sflag:$0x2] =	stream.linear.gather [hbm4b:s23+s21], $0x12000, $0x38;
	[tilespmem:$0x17A30] =	vst v63  }
0x30: {  	_ =	swait.ge [sflag:s12], $0x12000  }
0x31: {  	[sflag:s12] =	ssyncset.done $0x0  }
0x32: {  	p1 =	por p2, p2;
	s22 =	smul.u32 $0x1C20, s22;
	[sflag:s12] =	ssyncadd.s32 $0xFFFEE000  }
.LBB2_10:
0x33: {  	_ =	sdelay $0x3  }
0x34: {  	[tilespmem:s23+$0xFFFFFFE0] =	vst v9;
	v7 =	vld.idx.msk [tilespmem:v7+s18+$0x0], $0xffff  }
0x35: {  	[tilespmem:s23+$0x0] =	vst v8;
	v3 =	vld.idx.msk [tilespmem:v3+s18+$0x0], $0xffff  }
0x36: {  	[tilespmem:s23+$0x10] =	vst v5;
	s30 =	sadd.s32 $0x50, s23;
	v2 =	vld.idx.msk [tilespmem:v2+s18+$0x0], $0xffff  }
0x37: {  	[tilespmem:s30+$0x20] =	vst v4  }
0x38: {  	[tilespmem:s30+$0xFFFFFFF0] =	vst v6  }
0x39: {  	s24 =	sshrl.u32 s24, $0x3;
	[tilespmem:s30+$0xFFFFFFE0] =	vst v7  }
0x3a: {  	s24 =	sadd.s32 s2, s24;
	[tilespmem:s30+$0x0] =	vst v3  }
0x3b: {  	s31 =	sadd.s32 $0x708, s24;
	[tilespmem:s30+$0x10] =	vst v2  }
0x3c: {  	[hbm4b:s31+s3] =	stream.linear.scatter [tilespmem:s19], [sflag:$0x2], $0xE1, $0x38;
	[tilespmem:$0x17A30] =	vst v63  }
0x3d: {  	_ =	swait.ge [sflag:s12], $0xE1  }
0x3e: {  	[sflag:s12] =	ssyncset.done $0x0  }
0x3f: {  	[sflag:s12] =	ssyncadd.s32 $0xFFFFFF1F  }
.LBB2_11:
0x40: {  	s21 =	sadd.s32 $0x1, s21  }
0x41: {  	p2 =	sne.s32 s21, $0x10  }
.Ltmp5:
0x42: {  	_ = 	snop;
	(pc) =	sbr.rel @!p2 .LBB2_12-.Ltmp5, $1  }
0x43: {  	_ =	sdelay $0x3  }
.LBB2_3:
0x44: {  	p2 =	slt.u32 s21, $0x2;
	v2 =	vmov s21  }
0x45: {  	s23 =	simm.s32 @!p2 $0x1  }
0x46: {  	_ =	swait.ge @!p2 [sflag:s23], $0x1C20  }
0x47: {  	[sflag:s23] =	ssyncset.done @!p2 $0x0  }
0x48: {  	[sflag:s23] =	ssyncadd.s32 @!p2 $0xFFFFE3E0  }
0x49: {  	v3 =	vld.idx.msk [tilespmem:v2+s3+$0x0], $0xffff  }
0x4a: {  	v2 =	vld.idx.msk [tilespmem:v2+s13+$0x0], $0xffff;
	_ =	sdelay $0x4  }
0x4b: {  	v2 =	vadd.s32 v1, v2  }
0x4c: {  	v4 =	vadd.s32 $0xFFFFFFF9, v3;
	v6 =	vadd.s32 $0xFFFFFFFA, v3;
	v9 =	vadd.s32 $0xFFFFFFFC, v3  }
0x4d: {  	v11 =	vadd.s32 $0xFFFFFFFD, v3;
	v13 =	vadd.s32 $0xFFFFFFFE, v3;
	vm1 =	vgt.s32 v2, $0x0  }
0x4e: {  	vm2 =	vgt.s32 v4, $0x0;
	vm3 =	vgt.s32 v6, $0x0;
	vm4 =	vgt.s32 v11, $0x0  }
0x4f: {  	v5 =	vnsel vm1, $0x0, v2;
	vm1 =	vlt.u32 v2, $0x30;
	v2 =	vnsel vm2, $0x0, v4  }
0x50: {  	vm2 =	vlt.u32 v4, $0x30;
	v4 =	vnsel vm3, $0x0, v6;
	v12 =	vnsel vm4, $0x0, v11  }
0x51: {  	vm1 =	vmand vm1, vm0;
	v2 =	vmin.u32 v2, $0x2F;
	v4 =	vmin.u32 v4, $0x2F  }
0x52: {  	v7 =	vmul.u32 $0x30, v2;
	vm2 =	vmand vm2, vm1;
	v4 =	vmul.u32 $0x30, v4  }
0x53: {  	v12 =	vmin.u32 v12, $0x2F;
	v2 =	vmin.u32 v5, $0x2F;
	v8 =	vsel vm2, $0x3F800000, v0  }
0x54: {  	v5 =	vadd.s32 v2, v7;
	v7 =	vadd.s32 $0xFFFFFFFB, v3;
	v4 =	vadd.s32 v2, v4  }
0x55: {  	v5 =	vnsel vm2, $0x100000, v5;
	vm3 =	vgt.s32 v7, $0x0;
	vm2 =	vlt.u32 v6, $0x30  }
0x56: {  	v6 =	vnsel vm3, $0x0, v7;
	vm2 =	vmand vm2, vm1;
	vm3 =	vgt.s32 v9, $0x0  }
0x57: {  	v6 =	vmin.u32 v6, $0x2F;
	v4 =	vnsel vm2, $0x100000, v4;
	v10 =	vsel vm2, $0x3F800000, v0  }
0x58: {  	vm2 =	vlt.u32 v7, $0x30;
	v7 =	vnsel vm3, $0x0, v9;
	v6 =	vmul.u32 $0x30, v6  }
0x59: {  	v15 =	vadd.s32 $0xFFFFFFFF, v3;
	v12 =	vmul.u32 $0x30, v12;
	v7 =	vmin.u32 v7, $0x2F  }
0x5a: {  	vm2 =	vmand vm2, vm1;
	v7 =	vmul.u32 $0x30, v7;
	v6 =	vadd.s32 v2, v6  }
0x5b: {  	vm3 =	vlt.u32 v9, $0x30;
	v9 =	vsel vm2, $0x3F800000, v0;
	v6 =	vnsel vm2, $0x100000, v6  }
0x5c: {  	vm2 =	vmand vm3, vm1;
	v7 =	vadd.s32 v2, v7;
	vm3 =	vgt.s32 v13, $0x0  }
0x5d: {  	v7 =	vnsel vm2, $0x100000, v7;
	v14 =	vsel vm2, $0x3F800000, v0;
	vm2 =	vlt.u32 v11, $0x30  }
0x5e: {  	v12 =	vadd.s32 v2, v12;
	v11 =	vnsel vm3, $0x0, v13;
	vm2 =	vmand vm2, vm1  }
0x5f: {  	vm3 =	vgt.s32 v15, $0x0;
	v11 =	vmin.u32 v11, $0x2F;
	v12 =	vnsel vm2, $0x100000, v12  }
0x60: {  	v11 =	vmul.u32 $0x30, v11;
	v16 =	vsel vm2, $0x3F800000, v0;
	vm2 =	vlt.u32 v13, $0x30  }
0x61: {  	v13 =	vnsel vm3, $0x0, v15;
	vm3 =	vgt.s32 v3, $0x0;
	vm2 =	vmand vm2, vm1  }
0x62: {  	[tilespmem:$0x1D30] =	vst v5;
	v13 =	vmin.u32 v13, $0x2F;
	v5 =	vnsel vm3, $0x0, v3;
	v11 =	vadd.s32 v2, v11  }
0x63: {  	v17 =	vsel vm2, $0x3F800000, v0;
	v13 =	vmul.u32 $0x30, v13;
	v5 =	vmin.u32 v5, $0x2F  }
0x64: {  	[tilespmem:$0x1E20] =	vst v8;
	v11 =	vnsel vm2, $0x100000, v11;
	vm2 =	vlt.u32 v15, $0x30;
	v15 =	vadd.s32 $0x1, v3  }
0x65: {  	[tilespmem:$0x1D40] =	vst v4;
	v5 =	vmul.u32 $0x30, v5;
	vm2 =	vmand vm2, vm1;
	v8 =	vadd.s32 v2, v13  }
0x66: {  	vm3 =	vgt.s32 v15, $0x0;
	v13 =	vadd.s32 $0x3, v3;
	[tilespmem:$0x1D80] =	vst v11;
	v11 =	vadd.s32 $0x4, v3  }
0x67: {  	[tilespmem:$0x1E30] =	vst v10;
	v4 =	vnsel vm2, $0x100000, v8;
	v8 =	vnsel vm3, $0x0, v15;
	v10 =	vsel vm2, $0x3F800000, v0  }
0x68: {  	[tilespmem:$0x1E40] =	vst v9;
	vm2 =	vlt.u32 v3, $0x30;
	v5 =	vadd.s32 v5, v2;
	vm3 =	vlt.u32 v15, $0x30  }
0x69: {  	[tilespmem:$0x1D50] =	vst v6;
	v8 =	vmin.u32 v8, $0x2F;
	vm2 =	vmand vm2, vm1;
	vm3 =	vmand vm3, vm1  }
0x6a: {  	[tilespmem:$0x1D60] =	vst v7;
	v6 =	vmul.u32 $0x30, v8;
	v5 =	vnsel vm2, $0x100000, v5;
	v8 =	vadd.s32 $0x2, v3  }
0x6b: {  	[tilespmem:$0x1D70] =	vst v12;
	v7 =	vsel vm2, $0x3F800000, v0;
	v12 =	vsel vm3, $0x3F800000, v0;
	vm14 =	vgt.s32 v8, $0x0  }
0x6c: {  	vm2 =	vlt.u32 v8, $0x30;
	[tilespmem:$0x1E90] =	vst v7;
	v7 =	vadd.s32 $0x5, v3;
	v9 =	vnsel vm14, $0x0, v8  }
0x6d: {  	v6 =	vadd.s32 v2, v6;
	vm2 =	vmand vm2, vm1;
	v9 =	vmin.u32 v9, $0x2F  }
0x6e: {  	[tilespmem:$0x1E50] =	vst v14;
	v6 =	vnsel vm3, $0x100000, v6;
	vm3 =	vgt.s32 v13, $0x0;
	v9 =	vmul.u32 $0x30, v9  }
0x6f: {  	[tilespmem:$0x1E80] =	vst v10;
	vm15 =	vgt.s32 v7, $0x0;
	v10 =	vsel vm2, $0x3F800000, v0;
	v8 =	vnsel vm3, $0x0, v13  }
0x70: {  	[tilespmem:$0x1E60] =	vst v16;
	vm3 =	vgt.s32 v11, $0x0;
	v8 =	vmin.u32 v8, $0x2F;
	v9 =	vadd.s32 v2, v9  }
0x71: {  	[tilespmem:$0x1D90] =	vst v4;
	v8 =	vmul.u32 $0x30, v8;
	v4 =	vnsel vm2, $0x100000, v9;
	v9 =	vnsel vm3, $0x0, v11  }
0x72: {  	[tilespmem:$0x1E70] =	vst v17;
	vm2 =	vlt.u32 v13, $0x30;
	vm3 =	vlt.u32 v11, $0x30;
	v11 =	vadd.s32 $0x6, v3  }
0x73: {  	[tilespmem:$0x1DA0] =	vst v5;
	v9 =	vmin.u32 v9, $0x2F;
	vm2 =	vmand vm2, vm1;
	v5 =	vadd.s32 v2, v8  }
0x74: {  	[tilespmem:$0x1EA0] =	vst v12;
	vm3 =	vmand vm3, vm1;
	v8 =	vmul.u32 $0x30, v9;
	v9 =	vnsel vm15, $0x0, v7  }
0x75: {  	[tilespmem:$0x1DC0] =	vst v4;
	v5 =	vnsel vm2, $0x100000, v5;
	v4 =	vsel vm3, $0x3F800000, v0;
	v9 =	vmin.u32 v9, $0x2F  }
0x76: {  	[tilespmem:$0x1DB0] =	vst v6;
	v6 =	vadd.s32 v2, v8;
	v8 =	vsel vm2, $0x3F800000, v0;
	v9 =	vmul.u32 $0x30, v9  }
0x77: {  	[tilespmem:$0x1EB0] =	vst v10;
	vm2 =	vlt.u32 v7, $0x30;
	v6 =	vnsel vm3, $0x100000, v6;
	vm3 =	vgt.s32 v11, $0x0  }
0x78: {  	v3 =	vadd.s32 $0x7, v3;
	[tilespmem:$0x1DD0] =	vst v5;
	vm2 =	vmand vm2, vm1;
	v5 =	vnsel vm3, $0x0, v11  }
0x79: {  	[tilespmem:$0x1ED0] =	vst v4;
	v7 =	vadd.s32 v2, v9;
	vm3 =	vgt.s32 v3, $0x0;
	v4 =	vsel vm2, $0x3F800000, v0  }
0x7a: {  	[tilespmem:$0x1DE0] =	vst v6;
	v5 =	vmin.u32 v5, $0x2F;
	v6 =	vnsel vm2, $0x100000, v7;
	v7 =	vnsel vm3, $0x0, v3  }
0x7b: {  	[tilespmem:$0x1EC0] =	vst v8;
	vm2 =	vlt.u32 v11, $0x30;
	v5 =	vmul.u32 $0x30, v5;
	v7 =	vmin.u32 v7, $0x2F  }
0x7c: {  	[tilespmem:$0x1DF0] =	vst v6;
	vm2 =	vmand vm2, vm1;
	v6 =	vmul.u32 $0x30, v7  }
0x7d: {  	[tilespmem:$0x1EE0] =	vst v4;
	vm3 =	vlt.u32 v3, $0x30;
	v3 =	vsel vm2, $0x3F800000, v0;
	v5 =	vadd.s32 v2, v5  }
0x7e: {  	vm1 =	vmand vm3, vm1;
	[tilespmem:$0x1EF0] =	vst v3;
	v4 =	vnsel vm2, $0x100000, v5;
	v2 =	vadd.s32 v2, v6  }
0x7f: {  	[tilespmem:$0x1E00] =	vst v4;
	v2 =	vnsel vm1, $0x100000, v2  }
0x80: {  	[tilespmem:$0x1E10] =	vst v2;
	v2 =	vsel vm1, $0x3F800000, v0  }
0x81: {  	s29 =	simm.s32 $0x60;
	[tilespmem:$0x1F00] =	vst v2  }
0x82: {  	v2 =	vld [tilespmem:s29+$0x30];
	_ =	sdelay $0x4  }
0x83: {  	v3 =	vld [tilespmem:s29+$0xFFFFFFD0];
	v6 =	vand.u32 $0xFF, v2  }
0x84: {  	v5 =	vld [tilespmem:s29+$0xFFFFFFF0]  }
0x85: {  	v7 =	vld [tilespmem:s29+$0x0]  }
0x86: {  	v9 =	vld [tilespmem:s29+$0xFFFFFFC0]  }
0x87: {  	v4 =	vld [tilespmem:s29+$0xFFFFFFE0]  }
0x88: {  	v10 =	vand.u32 $0xFF, v3;
	v6 =	vld.idx.msk [tilespmem:v6+s17+$0x0], $0xffff  }
0x89: {  	v8 =	vld [tilespmem:s29+$0x10];
	v13 =	vand.u32 $0xFF, v5  }
0x8a: {  	s30 =	simm.s32 $0xE0;
	v11 =	vld [tilespmem:s29+$0x20];
	v14 =	vand.u32 $0xFF, v7  }
0x8b: {  	v55 =	vld [tilespmem:s30+$0x30];
	v15 =	vand.u32 $0xFF, v9  }
0x8c: {  	v19 =	vld [tilespmem:s30+$0x0];
	v12 =	vand.u32 $0xFF, v4;
	v2 =	vshra.s32 v2, $0x8  }
0x8d: {  	v10 =	vld.idx.msk [tilespmem:v10+s17+$0x0], $0xffff;
	v2 =	vadd.s32 v6, v2  }
0x8e: {  	v52 =	vand.u32 $0xFF, v8;
	v6 =	vld.idx.msk [tilespmem:v13+s17+$0x0], $0xffff;
	vm1 =	vlt.s32 v2, $0x12000  }
0x8f: {  	v13 =	vld.idx.msk [tilespmem:v14+s17+$0x0], $0xffff;
	v2 =	vnsel vm1, $0x12000, v2  }
0x90: {  	v14 =	vld.idx.msk [tilespmem:v15+s17+$0x0], $0xffff  }
0x91: {  	v3 =	vshra.s32 v3, $0x8;
	v12 =	vld.idx.msk [tilespmem:v12+s17+$0x0], $0xffff  }
0x92: {  	v3 =	vadd.s32 v10, v3;
	v10 =	vld [tilespmem:s30+$0xFFFFFFF0]  }
0x93: {  	v15 =	vld.idx.msk [tilespmem:v52+s17+$0x0], $0xffff  }
0x94: {  	v53 =	vand.u32 $0xFF, v11;
	v9 =	vshra.s32 v9, $0x8;
	v18 =	vld.idx.msk [tilespmem:v2+s16+$0x0], $0xffff  }
0x95: {  	v2 =	vadd.s32 v14, v9;
	v9 =	vld [tilespmem:s30+$0xFFFFFFD0]  }
0x96: {  	v20 =	vand.u32 $0xFF, v55;
	v5 =	vshra.s32 v5, $0x8;
	v14 =	vld [tilespmem:s30+$0xFFFFFFE0]  }
0x97: {  	v23 =	vld [tilespmem:s30+$0x20];
	v5 =	vadd.s32 v6, v5;
	v6 =	vand.u32 $0xFF, v10;
	vm1 =	vlt.s32 v2, $0x12000  }
0x98: {  	v21 =	vld [tilespmem:s30+$0x10];
	v4 =	vshra.s32 v4, $0x8;
	v2 =	vnsel vm1, $0x12000, v2;
	vm1 =	vlt.s32 v3, $0x12000  }
0x99: {  	v7 =	vshra.s32 v7, $0x8;
	v8 =	vshra.s32 v8, $0x8;
	v54 =	vld.idx.msk [tilespmem:v53+s17+$0x0], $0xffff;
	v3 =	vnsel vm1, $0x12000, v3  }
0x9a: {  	v11 =	vshra.s32 v11, $0x8;
	v4 =	vadd.s32 v12, v4;
	v12 =	vld [tilespmem:s30+$0xFFFFFFC0];
	v22 =	vand.u32 $0xFF, v9  }
0x9b: {  	v20 =	vld.idx.msk [tilespmem:v20+s17+$0x0], $0xffff;
	v7 =	vadd.s32 v13, v7;
	v8 =	vadd.s32 v15, v8;
	v24 =	vand.u32 $0xFF, v14  }
0x9c: {  	v15 =	vand.u32 $0xFF, v23;
	vm1 =	vlt.s32 v4, $0x12000;
	v58 =	vld.idx.msk [tilespmem:v6+s17+$0x0], $0xffff;
	v6 =	vshra.s32 v55, $0x8  }
0x9d: {  	v25 =	vld.idx.msk [tilespmem:v2+s16+$0x0], $0xffff;
	v2 =	vnsel vm1, $0x12000, v4;
	vm1 =	vlt.s32 v5, $0x12000;
	v4 =	vand.u32 $0xFF, v19  }
0x9e: {  	v5 =	vnsel vm1, $0x12000, v5;
	v26 =	vld.idx.msk [tilespmem:v3+s16+$0x0], $0xffff;
	v3 =	vand.u32 $0xFF, v21;
	vm1 =	vlt.s32 v7, $0x12000  }
0x9f: {  	v56 =	vnsel vm1, $0x12000, v7;
	v7 =	vadd.s32 v54, v11;
	v11 =	vand.u32 $0xFF, v12;
	v13 =	vld.idx.msk [tilespmem:v22+s17+$0x0], $0xffff  }
0xa0: {  	v61 =	vshra.s32 v23, $0x8;
	v6 =	vadd.s32 v20, v6;
	v57 =	vld.idx.msk [tilespmem:v24+s17+$0x0], $0xffff  }
0xa1: {  	v15 =	vld.idx.msk [tilespmem:v15+s17+$0x0], $0xffff;
	vm1 =	vlt.s32 v8, $0x12000;
	v12 =	vshra.s32 v12, $0x8;
	vm2 =	vlt.s32 v7, $0x12000  }
0xa2: {  	v59 =	vnsel vm1, $0x12000, v8;
	v8 =	vshra.s32 v14, $0x8;
	vm1 =	vlt.s32 v6, $0x12000;
	v4 =	vld.idx.msk [tilespmem:v4+s17+$0x0], $0xffff  }
0xa3: {  	s31 =	sand.u32 $0x1, s21;
	v60 =	vnsel vm2, $0x12000, v7;
	v7 =	vshra.s32 v9, $0x8;
	v9 =	vshra.s32 v10, $0x8;
	v10 =	vld.idx.msk [tilespmem:v3+s17+$0x0], $0xffff  }
0xa4: {  	p2 =	seq.s32 s31, $0x1;
	s23 =	simm.s32 $0x7440;
	v14 =	vshra.s32 v21, $0x8;
	v63 =	vnsel vm1, $0x12000, v6;
	v62 =	vld.idx.msk [tilespmem:v11+s17+$0x0], $0xffff;
	v11 =	vadd.s32 v13, v7  }
0xa5: {  	s23 =	simm.s32 @!p2 $0x0;
	v3 =	vshra.s32 v19, $0x8;
	v13 =	vadd.s32 v57, v8;
	v7 =	vld.idx.msk [tilespmem:v2+s16+$0x0], $0xffff;
	vm2 =	vlt.s32 v11, $0x12000  }
0xa6: {  	s24 =	sshrl.u32 s23, $0x2;
	v8 =	vld.idx.msk [tilespmem:v5+s16+$0x0], $0xffff;
	vm1 =	vlt.s32 v13, $0x12000;
	v6 =	vnsel vm2, $0x12000, v11;
	v11 =	vadd.s32 v58, v9  }
0xa7: {  	s25 =	sadd.s32 $0x14050, s24;
	v2 =	vnsel vm1, $0x12000, v13;
	v4 =	vadd.s32 v4, v3;
	v9 =	vld.idx.msk [tilespmem:v56+s16+$0x0], $0xffff;
	vm1 =	vlt.s32 v11, $0x12000  }
0xa8: {  	[tilespmem:s25+$0x30] =	vst v18;
	v5 =	vadd.s32 v10, v14;
	v10 =	vld.idx.msk [tilespmem:v59+s16+$0x0], $0xffff;
	v3 =	vnsel vm1, $0x12000, v11;
	vm1 =	vlt.s32 v4, $0x12000  }
0xa9: {  	[tilespmem:s25+$0xFFFFFFC0] =	vst v25;
	v13 =	vadd.s32 v15, v61;
	v11 =	vld.idx.msk [tilespmem:v60+s16+$0x0], $0xffff;
	v4 =	vnsel vm1, $0x12000, v4;
	vm1 =	vlt.s32 v5, $0x12000  }
0xaa: {  	s26 =	simm.s32 $0x8;
	s28 =	simm.s32 $0x160;
	s23 =	sadd.s32 $0x14010, s24;
	[tilespmem:s25+$0xFFFFFFD0] =	vst v26;
	v14 =	vadd.s32 v62, v12;
	v12 =	vld.idx.msk [tilespmem:v63+s16+$0x0], $0xffff;
	v5 =	vnsel vm1, $0x12000, v5;
	vm1 =	vlt.s32 v13, $0x12000  }
.LBB2_4:
0xab: {  	v15 =	vld [tilespmem:s28+$0x30];
	s26 =	sadd.s32 $0x8, s26;
	vm2 =	vlt.s32 v14, $0x12000;
	v16 =	vnsel vm1, $0x12000, v13;
	[tilespmem:s25+$0xFFFFFFE0] =	vst v7  }
0xac: {  	v7 =	vld [tilespmem:s28+$0xFFFFFFD0];
	p2 =	slt.u32 s26, $0x1B8;
	v13 =	vnsel vm2, $0x12000, v14;
	[tilespmem:s25+$0xFFFFFFF0] =	vst v8  }
0xad: {  	v8 =	vld [tilespmem:s28+$0xFFFFFFE0];
	[tilespmem:s25+$0x0] =	vst v9  }
0xae: {  	v9 =	vld [tilespmem:s28+$0xFFFFFFF0];
	[tilespmem:s25+$0x10] =	vst v10  }
0xaf: {  	v10 =	vld [tilespmem:s28+$0x0];
	[tilespmem:s25+$0x20] =	vst v11;
	s25 =	sadd.s32 $0x80, s25  }
0xb0: {  	v11 =	vld [tilespmem:s28+$0x10];
	v14 =	vand.u32 $0xFF, v15;
	[tilespmem:s25+$0x30] =	vst v12  }
0xb1: {  	v12 =	vshra.s32 v7, $0x8;
	v7 =	vand.u32 $0xFF, v7;
	v17 =	vld [tilespmem:s28+$0x20]  }
0xb2: {  	v18 =	vld [tilespmem:s28+$0xFFFFFFC0];
	v19 =	vshra.s32 v8, $0x8;
	v8 =	vand.u32 $0xFF, v8  }
0xb3: {  	v20 =	vshra.s32 v9, $0x8;
	v9 =	vand.u32 $0xFF, v9;
	v13 =	vld.idx.msk [tilespmem:v13+s16+$0x0], $0xffff  }
0xb4: {  	v21 =	vshra.s32 v10, $0x8;
	v10 =	vand.u32 $0xFF, v10;
	v6 =	vld.idx.msk [tilespmem:v6+s16+$0x0], $0xffff  }
0xb5: {  	v22 =	vshra.s32 v11, $0x8;
	v11 =	vand.u32 $0xFF, v11;
	v14 =	vld.idx.msk [tilespmem:v14+s17+$0x0], $0xffff  }
0xb6: {  	v7 =	vld.idx.msk [tilespmem:v7+s17+$0x0], $0xffff;
	v23 =	vshra.s32 v17, $0x8;
	v17 =	vand.u32 $0xFF, v17  }
0xb7: {  	v24 =	vshra.s32 v18, $0x8;
	v18 =	vand.u32 $0xFF, v18;
	v8 =	vld.idx.msk [tilespmem:v8+s17+$0x0], $0xffff  }
0xb8: {  	v9 =	vld.idx.msk [tilespmem:v9+s17+$0x0], $0xffff  }
0xb9: {  	v10 =	vld.idx.msk [tilespmem:v10+s17+$0x0], $0xffff;
	[tilespmem:s25+$0xFFFFFFC0] =	vst v13  }
0xba: {  	v13 =	vshra.s32 v15, $0x8;
	v11 =	vld.idx.msk [tilespmem:v11+s17+$0x0], $0xffff;
	[tilespmem:s25+$0xFFFFFFD0] =	vst v6  }
0xbb: {  	v6 =	vadd.s32 v14, v13;
	v15 =	vld.idx.msk [tilespmem:v17+s17+$0x0], $0xffff  }
0xbc: {  	v12 =	vadd.s32 v7, v12;
	vm1 =	vlt.s32 v6, $0x12000;
	v14 =	vld.idx.msk [tilespmem:v18+s17+$0x0], $0xffff  }
0xbd: {  	vm2 =	vlt.s32 v12, $0x12000;
	v13 =	vadd.s32 v8, v19;
	v17 =	vnsel vm1, $0x12000, v6;
	v7 =	vld.idx.msk [tilespmem:v2+s16+$0x0], $0xffff  }
.Ltmp6:
0xbe: {  	v6 =	vnsel vm2, $0x12000, v12;
	vm1 =	vlt.s32 v13, $0x12000;
	v12 =	vadd.s32 v9, v20;
	v8 =	vld.idx.msk [tilespmem:v3+s16+$0x0], $0xffff;
	(pc) =	sbr.rel @p2 .LBB2_4-.Ltmp6, $4  }
0xbf: {  	v2 =	vnsel vm1, $0x12000, v13;
	vm1 =	vlt.s32 v12, $0x12000;
	v13 =	vadd.s32 v10, v21;
	v9 =	vld.idx.msk [tilespmem:v4+s16+$0x0], $0xffff  }
0xc0: {  	v3 =	vnsel vm1, $0x12000, v12;
	vm1 =	vlt.s32 v13, $0x12000;
	v12 =	vadd.s32 v11, v22;
	v10 =	vld.idx.msk [tilespmem:v5+s16+$0x0], $0xffff  }
0xc1: {  	v4 =	vnsel vm1, $0x12000, v13;
	vm1 =	vlt.s32 v12, $0x12000;
	v13 =	vadd.s32 v15, v23;
	v11 =	vld.idx.msk [tilespmem:v16+s16+$0x0], $0xffff  }
0xc2: {  	s28 =	sadd.s32 $0x80, s28;
	v14 =	vadd.s32 v14, v24;
	v5 =	vnsel vm1, $0x12000, v12;
	vm1 =	vlt.s32 v13, $0x12000;
	v12 =	vld.idx.msk [tilespmem:v17+s16+$0x0], $0xffff  }
0xc3: {  	_ =	sdelay $0x2  }
0xc4: {  	[tilespmem:s25+$0xFFFFFFE0] =	vst v7  }
0xc5: {  	vm2 =	vlt.s32 v14, $0x12000;
	[tilespmem:s25+$0xFFFFFFF0] =	vst v8;
	v62 =	vnsel vm1, $0x12000, v13;
	v6 =	vld.idx.msk [tilespmem:v6+s16+$0x0], $0xffff  }
0xc6: {  	v2 =	vld.idx.msk [tilespmem:v2+s16+$0x0], $0xffff;
	v14 =	vnsel vm2, $0x12000, v14;
	[tilespmem:s25+$0x0] =	vst v9  }
0xc7: {  	v3 =	vld.idx.msk [tilespmem:v3+s16+$0x0], $0xffff;
	[tilespmem:s25+$0x10] =	vst v10  }
0xc8: {  	s31 =	sadd.s32 $0x80, s25;
	v4 =	vld.idx.msk [tilespmem:v4+s16+$0x0], $0xffff;
	[tilespmem:s25+$0x20] =	vst v11  }
0xc9: {  	v5 =	vld.idx.msk [tilespmem:v5+s16+$0x0], $0xffff;
	[tilespmem:s31+$0x30] =	vst v12  }
0xca: {  	[tilespmem:s31+$0xFFFFFFD0] =	vst v6;
	v63 =	vld.idx.msk [tilespmem:v62+s16+$0x0], $0xffff  }
0xcb: {  	[tilespmem:s31+$0xFFFFFFE0] =	vst v2;
	v61 =	vld.idx.msk [tilespmem:v14+s16+$0x0], $0xffff  }
0xcc: {  	[tilespmem:s31+$0xFFFFFFF0] =	vst v3  }
0xcd: {  	[tilespmem:s31+$0x0] =	vst v4  }
0xce: {  	[tilespmem:s31+$0x10] =	vst v5  }
0xcf: {  	s26 =	sadd.s32 $0x15C10, s24;
	[tilespmem:s31+$0x20] =	vst v63  }
0xd0: {  	s24 =	simm.s32 $0x0;
	v2 =	vmov s26;
	[tilespmem:s31+$0xFFFFFFC0] =	vst v61  }
.LBB2_6:
0xd1: {  	s25 =	sshra.s32 s24, $0x2  }
0xd2: {  	v3 =	vld [tilespmem:s25+$0x1C20];
	_ =	sdelay $0x4  }
0xd3: {  	v4 =	vand.u32 $0xFF, v3;
	_ =	sdelay $0x4  }
0xd4: {  	v4 =	vld.idx.msk [tilespmem:v4+s17+$0x0], $0xffff;
	_ =	sdelay $0x3  }
0xd5: {  	v3 =	vshra.s32 v3, $0x8  }
0xd6: {  	v3 =	vadd.s32 v4, v3  }
0xd7: {  	vm1 =	vlt.s32 v3, $0x12000  }
0xd8: {  	v3 =	vnsel vm1, $0x12000, v3;
	_ =	sdelay $0x4  }
0xd9: {  	p2 =	sne.s32 s24, $0x40;
	v3 =	vld.idx.msk [tilespmem:v3+s16+$0x0], $0xffff  }
.Ltmp7:
0xda: {  	_ = 	snop;
	(pc) =	sbr.rel @p2 .LBB2_6-.Ltmp7, $2  }
0xdb: {  	_ =	sdelay $0x2  }
0xdc: {  	s24 =	sadd.s32 $0x40, s24;
	[tilespmem:v2+s25+$0x0 ss:$0x1] =	vst.idx.msk $0xffff, v3  }
0xdd: {  	s24 =	sadd.s32 s7, s21  }
0xde: {  	s24 =	smul.u32 $0x3928, s24  }
.Ltmp8:
0xdf: {  	_ = 	snop;
	(pc) =	sbr.rel @!p0 .LBB2_11-.Ltmp8, $4  }
0xe0: {  	s25 =	sadd.s32 s22, s24  }
0xe1: {  	s25 =	sshrl.u32 s25, $0x3  }
0xe2: {  	s25 =	sadd.s32 s2, s25  }
0xe3: {  	[hbm4b:s25+s3] =	stream.linear.scatter [tilespmem:s23], [sflag:$0x1], $0x1C20, $0x38;
	[tilespmem:$0x17A30] =	vst v63  }
0xe4: {  	s23 =	simm.s32 $0x1C60  }
0xe5: {  	v2 =	vld [tilespmem:s23+$0x20]  }
0xe6: {  	v3 =	vld [tilespmem:s23+$0xFFFFFFF0]  }
0xe7: {  	v4 =	vld [tilespmem:s23+$0x0]  }
0xe8: {  	v5 =	vld [tilespmem:s23+$0x10]  }
0xe9: {  	s31 =	simm.s32 $0x1CB0;
	v6 =	vld [tilespmem:s23+$0xFFFFFFE0]  }
0xea: {  	v12 =	vld [tilespmem:s31+$0x20]  }
0xeb: {  	v13 =	vld [tilespmem:s31+$0xFFFFFFF0]  }
0xec: {  	v7 =	vld [tilespmem:s31+$0xFFFFFFE0]  }
0xed: {  	v10 =	vld.idx.msk [tilespmem:v2+s18+$0x0], $0xffff  }
0xee: {  	v11 =	vld.idx.msk [tilespmem:v3+s18+$0x0], $0xffff  }
0xef: {  	v3 =	vld [tilespmem:s31+$0x0]  }
0xf0: {  	v2 =	vld [tilespmem:s31+$0x10]  }
0xf1: {  	v9 =	vld.idx.msk [tilespmem:v6+s18+$0x0], $0xffff  }
0xf2: {  	v8 =	vld.idx.msk [tilespmem:v4+s18+$0x0], $0xffff  }
0xf3: {  	s23 =	simm.s32 $0x1F30;
	v5 =	vld.idx.msk [tilespmem:v5+s18+$0x0], $0xffff  }
0xf4: {  	v4 =	vld.idx.msk [tilespmem:v12+s18+$0x0], $0xffff;
	[tilespmem:s23+$0x20] =	vst v10  }
0xf5: {  	s25 =	simm.s32 $0x5;
	s26 =	simm.s32 $0x1D00;
	v6 =	vld.idx.msk [tilespmem:v13+s18+$0x0], $0xffff;
	[tilespmem:s23+$0xFFFFFFF0] =	vst v11  }
.LBB2_9:
0xf6: {  	v10 =	vld [tilespmem:s26+$0x20];
	s25 =	sadd.s32 $0x5, s25  }
0xf7: {  	v11 =	vld [tilespmem:s26+$0xFFFFFFF0];
	p2 =	slt.u32 s25, $0xA;
	[tilespmem:s23+$0xFFFFFFE0] =	vst v9  }
0xf8: {  	v12 =	vld [tilespmem:s26+$0x0];
	[tilespmem:s23+$0x0] =	vst v8  }
0xf9: {  	v13 =	vld [tilespmem:s26+$0x10];
	[tilespmem:s23+$0x10] =	vst v5;
	s23 =	sadd.s32 $0x50, s23  }
0xfa: {  	v14 =	vld [tilespmem:s26+$0xFFFFFFE0];
	[tilespmem:s23+$0x20] =	vst v4  }
.Ltmp9:
0xfb: {  	v9 =	vld.idx.msk [tilespmem:v7+s18+$0x0], $0xffff;
	[tilespmem:s23+$0xFFFFFFF0] =	vst v6;
	(pc) =	sbr.rel @p2 .LBB2_9-.Ltmp9, $4  }
0xfc: {  	v8 =	vld.idx.msk [tilespmem:v3+s18+$0x0], $0xffff  }
0xfd: {  	v5 =	vld.idx.msk [tilespmem:v2+s18+$0x0], $0xffff;
	v3 =	vmov v12  }
0xfe: {  	v4 =	vld.idx.msk [tilespmem:v10+s18+$0x0], $0xffff;
	v2 =	vmov v13  }
0xff: {  	s26 =	sadd.s32 $0x50, s26;
	v6 =	vld.idx.msk [tilespmem:v11+s18+$0x0], $0xffff;
	v7 =	vmov v14  }
.Ltmp10:
0x100: {  	_ = 	snop;
	(pc) =	sbr.rel .LBB2_10-.Ltmp10, $1  }
0x101: {  	_ =	sdelay $0x3  }
.LBB2_14:
0x102: {  	_ =	sfence.sel $0x180000  }
0x103: {  	[bflag:$0x0] =	sbarrier.arrive $0xFFFF  }
0x104: {  	p0 =	sne.s32 s1, $0x0;
	_ =	strace $0x90000047  }
0x105: {  	s0 =	sadd.s32 @!p0 $0x100000, s0;
	[bflag:$0x2] =	sbarrier.arrive $0xFFFF  }
0x106: {  	[sflag:s0] =	ssyncadd.tile.s32 @!p0 $0x1;
	_ =	shalt  }
.Lfunc_end2:
_tile_overlayer_lowered:
.L_overlay_start_2:
0x107: {  	(tag) =	ssettag $0x2  }
0x108: {  	s0 =	rddreg [dreg:$0x0];
	s2 =	stileid.u32  }
0x109: {  	s1 =	rddreg [dreg:$0x1];
	p0 =	sne.s32 s2, $0x0  }
0x10a: {  	s3 =	rddreg [dreg:$0x2];
	[bflag:$0x3] =	sbarrier.arrive $0xFFFF;
	s2 =	simm.s32 @!p0 $0x1C02  }
0x10b: {  	[timem:s3], [sflag:s2] =	dma.local @!p0 [hbm:s0], s1  }
0x10c: {  	s0 =	simm.s32 @!p0 $0x2  }
0x10d: {  	_ =	swait.ge @!p0 [sflag:s0], s1  }
0x10e: {  	s1 =	ssub.s32 @!p0 $0x0, s1;
	[sflag:s0] =	ssyncset.done @!p0 $0x0  }
0x10f: {  	[sflag:s0] =	ssyncadd.s32 @!p0 s1  }
0x110: {  	[bflag:$0x3] =	sbarrier.arrive $0xFFFF  }
0x111: {  	_ =	shalt  }

</sc_bundles>
